<compile_context>
chip_gen: v7x
topology: tpu7x:2x2x1
jax: 0.10.2.dev20260603
libtpu: 0.0.44.dev20260713+nightly
codegen_flags: <defaults>
</compile_context>

<pallas_src>
import functools

import jax
import jax.numpy as jnp
from jax import lax
from jax.experimental import pallas as pl
from jax.experimental.pallas import tpu as pltpu
from jax.experimental.pallas import tpu_sc as plsc

D = 128
B_TOK = 1024 * 512
NC, NS = 2, 16
NW = NC * NS
K = 128
CHUNKS = B_TOK // (NW * K)
NBUF = 4


def _body(idx_hbm, table_hbm, out_hbm, idx_v, rows_v, tab_v, tab_sh,
          gsem, wsem):
    sid = lax.axis_index("s")
    wid = sid * NC + lax.axis_index("c")

    @pl.when(sid == 0)
    def _():
        pltpu.sync_copy(table_hbm, tab_v)
        pltpu.sync_copy(tab_v, tab_sh)

    pltpu.sync_copy(idx_hbm.at[wid], idx_v)
    plsc.subcore_barrier()
    base = wid * (CHUNKS * K)

    def gather_copy(j, b):
        return pltpu.make_async_copy(tab_sh.at[idx_v.at[j]],
                                     rows_v.at[b], gsem)

    def write_copy(j, b):
        return pltpu.make_async_copy(rows_v.at[b],
                                     out_hbm.at[pl.ds(base + j * K, K)],
                                     wsem)

    gather_copy(0, 0).start()
    gather_copy(1, 1).start()
    gather_copy(2, 2).start()
    gather_copy(0, 0).wait()
    write_copy(0, 0).start()
    gather_copy(3, 3).start()
    gather_copy(1, 1).wait()
    write_copy(1, 1).start()

    def outer(i, carry):
        for b in range(NBUF):
            j = i * NBUF + b
            write_copy(j - NBUF, b).wait()
            gather_copy(j, b).start()
            pb = (b + 2) % NBUF
            gather_copy(j - 2, pb).wait()
            write_copy(j - 2, pb).start()
        return carry

    lax.fori_loop(1, CHUNKS // NBUF, outer, 0)

    gather_copy(CHUNKS - 2, 2).wait()
    write_copy(CHUNKS - 2, 2).start()
    gather_copy(CHUNKS - 1, 3).wait()
    write_copy(CHUNKS - 1, 3).start()
    for b in range(NBUF):
        write_copy(CHUNKS - NBUF + b, b).wait()


def kernel(input_ids, word_embeddings, text_embeddings):
    del text_embeddings
    idx = input_ids.reshape(NW, CHUNKS, K)
    run = functools.partial(
        pl.kernel,
        mesh=plsc.VectorSubcoreMesh(core_axis_name="c", subcore_axis_name="s"),
        out_type=jax.ShapeDtypeStruct((B_TOK, D), jnp.float32),
        scratch_types=[
            pltpu.VMEM((CHUNKS, K), jnp.int32),
            pltpu.VMEM((NBUF, K, D), jnp.float32),
            pltpu.VMEM((178, D), jnp.float32),
            pltpu.VMEM_SHARED((178, D), jnp.float32),
            pltpu.SemaphoreType.DMA,
            pltpu.SemaphoreType.DMA,
        ],
    )(_body)
    out = run(idx, word_embeddings)
    return out.reshape(1024, 512, D)

# --- scband reference (transcript-rebuilt; emitter-appended) ---
"""Pipeline reference for scband-ttsmodel-1357209665820 (READ-ONLY COPY).

The authoritative reference and input builder live on the scoring server;
editing this copy changes nothing except your own understanding.
"""

import jax, jax.numpy as jnp
import numpy as np

VOCAB = 178
EMBED_DIM = 128
B, L = 1024, 512

def setup_inputs(seed: int = 0) -> dict:
    key = jax.random.key(seed)
    k1, k2, k3 = jax.random.split(key, 3)
    input_ids = jax.random.randint(k1, (B, L), 0, VOCAB, dtype=jnp.int64 if jax.config.jax_enable_x64 else jnp.int32).astype(jnp.int32)
    word_embeddings = jax.random.normal(k2, (VOCAB, EMBED_DIM), dtype=jnp.float32)
    text_embeddings = jax.random.normal(k3, (VOCAB, EMBED_DIM), dtype=jnp.float32)
    return {"input_ids": input_ids, "word_embeddings": word_embeddings, "text_embeddings": text_embeddings}

def reference(input_ids, word_embeddings, text_embeddings):
    # embeddings = self.bert['embeddings'].word_embeddings(input_ids)
    embeddings = jnp.take(word_embeddings, input_ids, axis=0)
    # text_encoded = self.text_encoder.embedding(input_ids)  (computed, then discarded)
    text_encoded = jnp.take(text_embeddings, input_ids, axis=0)
    del text_encoded
    return embeddings

if __name__ == "__main__":
    import jax
    _d = setup_inputs()
    print(jax.jit(kernel)(*tuple(_d.values())))

</pallas_src>

<mosaic_0001>
#map = affine_map<(d0, d1) -> (0, 0, 0)>
#map1 = affine_map<(d0, d1) -> (0, 0)>
module attributes {stable_mosaic.version = 14 : i64} {
  func.func @_body(%arg0: i32, %arg1: i32, %arg2: memref<32x128x128xi32, #tpu.memory_space<hbm>>, %arg3: memref<178x128xf32, #tpu.memory_space<hbm>>, %arg4: memref<524288x128xf32, #tpu.memory_space<hbm>>, %arg5: memref<128x128xi32, #tpu.memory_space<vmem>>, %arg6: memref<4x128x128xf32, #tpu.memory_space<vmem>>, %arg7: memref<178x128xf32, #tpu.memory_space<vmem>>, %arg8: memref<178x128xf32, #tpu.memory_space<vmem_shared>>, %arg9: memref<!tpu.dma_semaphore, #tpu.memory_space<semaphore_mem>>, %arg10: memref<!tpu.dma_semaphore, #tpu.memory_space<semaphore_mem>>) attributes {dimension_semantics = [#tpu.dimension_semantics<core_parallel>, #tpu.dimension_semantics<subcore_parallel>], iteration_bounds = array<i64: 2, 16>, scalar_prefetch = 0 : i64, scratch_operands = 6 : i64, tpu.core_type = #tpu.core_type<sc_vector_subcore>, window_params = [{transform_indices = #map}, {transform_indices = #map1}, {transform_indices = #map1}]} {
    %mul3A = arith.constant 2 : i32
    %mul3A_0 = arith.muli %arg1, %mul3A : i32
    %add3A = arith.addi %mul3A_0, %arg0 : i32
    %eq3A = arith.constant 0 : i32
    %eq3A_1 = arith.cmpi eq, %arg1, %eq3A : i32
    %convert_element_type3A = arith.extui %eq3A_1 : i1 to i32
    %cond3A = arith.constant 0 : i32
    %cond3A_2 = arith.cmpi ne, %convert_element_type3A, %cond3A : i32
    scf.if %cond3A_2 {
      "tpu.region"() ({
        %run_scoped3A = tpu.sem_alloc : memref<!tpu.dma_semaphore, #tpu.memory_space<semaphore_mem>>
        tpu.enqueue_dma source(%arg3 : memref<178x128xf32, #tpu.memory_space<hbm>>) target(%arg7 : memref<178x128xf32, #tpu.memory_space<vmem>>) target_semaphore(%run_scoped3A : memref<!tpu.dma_semaphore, #tpu.memory_space<semaphore_mem>>)
        tpu.wait_dma2 semaphore(%run_scoped3A : memref<!tpu.dma_semaphore, #tpu.memory_space<semaphore_mem>>) src(%arg3 : memref<178x128xf32, #tpu.memory_space<hbm>>) dst(%arg7 : memref<178x128xf32, #tpu.memory_space<vmem>>)
        tpu.yield
      }) : () -> ()
      "tpu.region"() ({
        %run_scoped3A = tpu.sem_alloc : memref<!tpu.dma_semaphore, #tpu.memory_space<semaphore_mem>>
        tpu.enqueue_dma source(%arg7 : memref<178x128xf32, #tpu.memory_space<vmem>>) target(%arg8 : memref<178x128xf32, #tpu.memory_space<vmem_shared>>) target_semaphore(%run_scoped3A : memref<!tpu.dma_semaphore, #tpu.memory_space<semaphore_mem>>)
        tpu.wait_dma2 semaphore(%run_scoped3A : memref<!tpu.dma_semaphore, #tpu.memory_space<semaphore_mem>>) src(%arg7 : memref<178x128xf32, #tpu.memory_space<vmem>>) dst(%arg8 : memref<178x128xf32, #tpu.memory_space<vmem_shared>>)
        tpu.yield
      }) : () -> ()
    } else {
    }
    "tpu.region"() ({
      %run_scoped3A = tpu.sem_alloc : memref<!tpu.dma_semaphore, #tpu.memory_space<semaphore_mem>>
      %dma_start3A_224 = arith.constant 0 : i32
      %dma_start3A_225 = arith.constant 0 : i32
      %dma_start3A_226 = tpu.memref_slice %arg2[%add3A, %dma_start3A_224, %dma_start3A_225] : memref<32x128x128xi32, #tpu.memory_space<hbm>> -> memref<1x128x128xi32, #tpu.memory_space<hbm>>
      %dma_start3A_227 = tpu.memref_squeeze %dma_start3A_226 : memref<1x128x128xi32, #tpu.memory_space<hbm>> -> memref<128x128xi32, #tpu.memory_space<hbm>>
      %dma_start3A_228 = arith.constant 0 : i32
      %dma_start3A_229 = arith.constant 0 : i32
      %dma_start3A_230 = tpu.memref_slice %arg2[%add3A, %dma_start3A_228, %dma_start3A_229] : memref<32x128x128xi32, #tpu.memory_space<hbm>> -> memref<1x128x128xi32, #tpu.memory_space<hbm>>
      %dma_start3A_231 = tpu.memref_squeeze %dma_start3A_230 : memref<1x128x128xi32, #tpu.memory_space<hbm>> -> memref<128x128xi32, #tpu.memory_space<hbm>>
      tpu.enqueue_dma source(%dma_start3A_231 : memref<128x128xi32, #tpu.memory_space<hbm>>) target(%arg5 : memref<128x128xi32, #tpu.memory_space<vmem>>) target_semaphore(%run_scoped3A : memref<!tpu.dma_semaphore, #tpu.memory_space<semaphore_mem>>)
      %dma_wait3A_232 = arith.constant 0 : i32
      %dma_wait3A_233 = arith.constant 0 : i32
      %dma_wait3A_234 = tpu.memref_slice %arg2[%add3A, %dma_wait3A_232, %dma_wait3A_233] : memref<32x128x128xi32, #tpu.memory_space<hbm>> -> memref<1x128x128xi32, #tpu.memory_space<hbm>>
      %dma_wait3A_235 = tpu.memref_squeeze %dma_wait3A_234 : memref<1x128x128xi32, #tpu.memory_space<hbm>> -> memref<128x128xi32, #tpu.memory_space<hbm>>
      %dma_wait3A_236 = arith.constant 0 : i32
      %dma_wait3A_237 = arith.constant 0 : i32
      %dma_wait3A_238 = tpu.memref_slice %arg2[%add3A, %dma_wait3A_236, %dma_wait3A_237] : memref<32x128x128xi32, #tpu.memory_space<hbm>> -> memref<1x128x128xi32, #tpu.memory_space<hbm>>
      %dma_wait3A_239 = tpu.memref_squeeze %dma_wait3A_238 : memref<1x128x128xi32, #tpu.memory_space<hbm>> -> memref<128x128xi32, #tpu.memory_space<hbm>>
      tpu.wait_dma2 semaphore(%run_scoped3A : memref<!tpu.dma_semaphore, #tpu.memory_space<semaphore_mem>>) src(%dma_wait3A_239 : memref<128x128xi32, #tpu.memory_space<hbm>>) dst(%arg5 : memref<128x128xi32, #tpu.memory_space<vmem>>)
      tpu.yield
    }) : () -> ()
    %barrier3A = arith.constant 0 : index
    tpu.barrier barrier_id(%barrier3A)
    %mul3A_3 = arith.constant 16384 : i32
    %mul3A_4 = arith.muli %add3A, %mul3A_3 : i32
    %dma_start3A = arith.constant 0 : i32
    %dma_start3A_5 = arith.constant 0 : i32
    %dma_start3A_6 = arith.constant 0 : i32
    %dma_start3A_7 = arith.constant 0 : i32
    %dma_start3A_8 = tpu.memref_slice %arg6[%dma_start3A_5, %dma_start3A_6, %dma_start3A_7] : memref<4x128x128xf32, #tpu.memory_space<vmem>> -> memref<1x128x128xf32, #tpu.memory_space<vmem>>
    %dma_start3A_9 = tpu.memref_squeeze %dma_start3A_8 : memref<1x128x128xf32, #tpu.memory_space<vmem>> -> memref<128x128xf32, #tpu.memory_space<vmem>>
    %dma_start3A_10 = arith.constant 0 : i32
    %dma_start3A_11 = tpu.memref_slice %arg5[%dma_start3A, %dma_start3A_10] : memref<128x128xi32, #tpu.memory_space<vmem>> -> memref<1x128xi32, #tpu.memory_space<vmem>>
    %dma_start3A_12 = tpu.memref_squeeze %dma_start3A_11 : memref<1x128xi32, #tpu.memory_space<vmem>> -> memref<128xi32, #tpu.memory_space<vmem>>
    %dma_start3A_13 = arith.constant 0 : i32
    %dma_start3A_14 = arith.constant 0 : i32
    %dma_start3A_15 = tpu.memref_slice %arg8[%dma_start3A_13, %dma_start3A_14] : memref<178x128xf32, #tpu.memory_space<vmem_shared>> -> memref<178x128xf32, #tpu.memory_space<vmem_shared>>
    tpu.enqueue_indirect_dma source(%dma_start3A_15 : memref<178x128xf32, #tpu.memory_space<vmem_shared>>) target(%dma_start3A_9 : memref<128x128xf32, #tpu.memory_space<vmem>>) offsets(%dma_start3A_12 : memref<128xi32, #tpu.memory_space<vmem>>) semaphore(%arg9 : memref<!tpu.dma_semaphore, #tpu.memory_space<semaphore_mem>>)
    %dma_start3A_16 = arith.constant 1 : i32
    %dma_start3A_17 = arith.constant 1 : i32
    %dma_start3A_18 = arith.constant 0 : i32
    %dma_start3A_19 = arith.constant 0 : i32
    %dma_start3A_20 = tpu.memref_slice %arg6[%dma_start3A_17, %dma_start3A_18, %dma_start3A_19] : memref<4x128x128xf32, #tpu.memory_space<vmem>> -> memref<1x128x128xf32, #tpu.memory_space<vmem>>
    %dma_start3A_21 = tpu.memref_squeeze %dma_start3A_20 : memref<1x128x128xf32, #tpu.memory_space<vmem>> -> memref<128x128xf32, #tpu.memory_space<vmem>>
    %dma_start3A_22 = arith.constant 0 : i32
    %dma_start3A_23 = tpu.memref_slice %arg5[%dma_start3A_16, %dma_start3A_22] : memref<128x128xi32, #tpu.memory_space<vmem>> -> memref<1x128xi32, #tpu.memory_space<vmem>>
    %dma_start3A_24 = tpu.memref_squeeze %dma_start3A_23 : memref<1x128xi32, #tpu.memory_space<vmem>> -> memref<128xi32, #tpu.memory_space<vmem>>
    %dma_start3A_25 = arith.constant 0 : i32
    %dma_start3A_26 = arith.constant 0 : i32
    %dma_start3A_27 = tpu.memref_slice %arg8[%dma_start3A_25, %dma_start3A_26] : memref<178x128xf32, #tpu.memory_space<vmem_shared>> -> memref<178x128xf32, #tpu.memory_space<vmem_shared>>
    tpu.enqueue_indirect_dma source(%dma_start3A_27 : memref<178x128xf32, #tpu.memory_space<vmem_shared>>) target(%dma_start3A_21 : memref<128x128xf32, #tpu.memory_space<vmem>>) offsets(%dma_start3A_24 : memref<128xi32, #tpu.memory_space<vmem>>) semaphore(%arg9 : memref<!tpu.dma_semaphore, #tpu.memory_space<semaphore_mem>>)
    %dma_start3A_28 = arith.constant 2 : i32
    %dma_start3A_29 = arith.constant 2 : i32
    %dma_start3A_30 = arith.constant 0 : i32
    %dma_start3A_31 = arith.constant 0 : i32
    %dma_start3A_32 = tpu.memref_slice %arg6[%dma_start3A_29, %dma_start3A_30, %dma_start3A_31] : memref<4x128x128xf32, #tpu.memory_space<vmem>> -> memref<1x128x128xf32, #tpu.memory_space<vmem>>
    %dma_start3A_33 = tpu.memref_squeeze %dma_start3A_32 : memref<1x128x128xf32, #tpu.memory_space<vmem>> -> memref<128x128xf32, #tpu.memory_space<vmem>>
    %dma_start3A_34 = arith.constant 0 : i32
    %dma_start3A_35 = tpu.memref_slice %arg5[%dma_start3A_28, %dma_start3A_34] : memref<128x128xi32, #tpu.memory_space<vmem>> -> memref<1x128xi32, #tpu.memory_space<vmem>>
    %dma_start3A_36 = tpu.memref_squeeze %dma_start3A_35 : memref<1x128xi32, #tpu.memory_space<vmem>> -> memref<128xi32, #tpu.memory_space<vmem>>
    %dma_start3A_37 = arith.constant 0 : i32
    %dma_start3A_38 = arith.constant 0 : i32
    %dma_start3A_39 = tpu.memref_slice %arg8[%dma_start3A_37, %dma_start3A_38] : memref<178x128xf32, #tpu.memory_space<vmem_shared>> -> memref<178x128xf32, #tpu.memory_space<vmem_shared>>
    tpu.enqueue_indirect_dma source(%dma_start3A_39 : memref<178x128xf32, #tpu.memory_space<vmem_shared>>) target(%dma_start3A_33 : memref<128x128xf32, #tpu.memory_space<vmem>>) offsets(%dma_start3A_36 : memref<128xi32, #tpu.memory_space<vmem>>) semaphore(%arg9 : memref<!tpu.dma_semaphore, #tpu.memory_space<semaphore_mem>>)
    %dma_wait3A = arith.constant 0 : i32
    %dma_wait3A_40 = arith.constant 0 : i32
    %dma_wait3A_41 = arith.constant 0 : i32
    %dma_wait3A_42 = arith.constant 0 : i32
    %dma_wait3A_43 = tpu.memref_slice %arg6[%dma_wait3A_40, %dma_wait3A_41, %dma_wait3A_42] : memref<4x128x128xf32, #tpu.memory_space<vmem>> -> memref<1x128x128xf32, #tpu.memory_space<vmem>>
    %dma_wait3A_44 = tpu.memref_squeeze %dma_wait3A_43 : memref<1x128x128xf32, #tpu.memory_space<vmem>> -> memref<128x128xf32, #tpu.memory_space<vmem>>
    %dma_wait3A_45 = arith.constant 0 : i32
    %dma_wait3A_46 = tpu.memref_slice %arg5[%dma_wait3A, %dma_wait3A_45] : memref<128x128xi32, #tpu.memory_space<vmem>> -> memref<1x128xi32, #tpu.memory_space<vmem>>
    %dma_wait3A_47 = tpu.memref_squeeze %dma_wait3A_46 : memref<1x128xi32, #tpu.memory_space<vmem>> -> memref<128xi32, #tpu.memory_space<vmem>>
    %dma_wait3A_48 = arith.constant 0 : i32
    %dma_wait3A_49 = arith.constant 0 : i32
    %dma_wait3A_50 = tpu.memref_slice %arg8[%dma_wait3A_48, %dma_wait3A_49] : memref<178x128xf32, #tpu.memory_space<vmem_shared>> -> memref<178x128xf32, #tpu.memory_space<vmem_shared>>
    tpu.wait_indirect_dma semaphore(%arg9 : memref<!tpu.dma_semaphore, #tpu.memory_space<semaphore_mem>>) src(%dma_wait3A_50 : memref<178x128xf32, #tpu.memory_space<vmem_shared>>) dst(%dma_wait3A_44 : memref<128x128xf32, #tpu.memory_space<vmem>>)
    %add3A_51 = arith.constant 0 : i32
    %add3A_52 = arith.addi %mul3A_4, %add3A_51 : i32
    %dma_start3A_53 = arith.constant 0 : i32
    %dma_start3A_54 = arith.constant 0 : i32
    %dma_start3A_55 = arith.constant 0 : i32
    %dma_start3A_56 = tpu.memref_slice %arg6[%dma_start3A_53, %dma_start3A_54, %dma_start3A_55] : memref<4x128x128xf32, #tpu.memory_space<vmem>> -> memref<1x128x128xf32, #tpu.memory_space<vmem>>
    %dma_start3A_57 = tpu.memref_squeeze %dma_start3A_56 : memref<1x128x128xf32, #tpu.memory_space<vmem>> -> memref<128x128xf32, #tpu.memory_space<vmem>>
    %dma_start3A_58 = arith.constant 0 : i32
    %dma_start3A_59 = tpu.memref_slice %arg4[%add3A_52, %dma_start3A_58] : memref<524288x128xf32, #tpu.memory_space<hbm>> -> memref<128x128xf32, #tpu.memory_space<hbm>>
    %dma_start3A_60 = arith.constant 0 : i32
    %dma_start3A_61 = tpu.memref_slice %arg4[%add3A_52, %dma_start3A_60] : memref<524288x128xf32, #tpu.memory_space<hbm>> -> memref<128x128xf32, #tpu.memory_space<hbm>>
    %dma_start3A_62 = arith.constant 0 : i32
    %dma_start3A_63 = arith.constant 0 : i32
    %dma_start3A_64 = tpu.memref_slice %arg6[%dma_start3A_53, %dma_start3A_62, %dma_start3A_63] : memref<4x128x128xf32, #tpu.memory_space<vmem>> -> memref<1x128x128xf32, #tpu.memory_space<vmem>>
    %dma_start3A_65 = tpu.memref_squeeze %dma_start3A_64 : memref<1x128x128xf32, #tpu.memory_space<vmem>> -> memref<128x128xf32, #tpu.memory_space<vmem>>
    tpu.enqueue_dma source(%dma_start3A_65 : memref<128x128xf32, #tpu.memory_space<vmem>>) target(%dma_start3A_61 : memref<128x128xf32, #tpu.memory_space<hbm>>) target_semaphore(%arg10 : memref<!tpu.dma_semaphore, #tpu.memory_space<semaphore_mem>>)
    %dma_start3A_66 = arith.constant 3 : i32
    %dma_start3A_67 = arith.constant 3 : i32
    %dma_start3A_68 = arith.constant 0 : i32
    %dma_start3A_69 = arith.constant 0 : i32
    %dma_start3A_70 = tpu.memref_slice %arg6[%dma_start3A_67, %dma_start3A_68, %dma_start3A_69] : memref<4x128x128xf32, #tpu.memory_space<vmem>> -> memref<1x128x128xf32, #tpu.memory_space<vmem>>
    %dma_start3A_71 = tpu.memref_squeeze %dma_start3A_70 : memref<1x128x128xf32, #tpu.memory_space<vmem>> -> memref<128x128xf32, #tpu.memory_space<vmem>>
    %dma_start3A_72 = arith.constant 0 : i32
    %dma_start3A_73 = tpu.memref_slice %arg5[%dma_start3A_66, %dma_start3A_72] : memref<128x128xi32, #tpu.memory_space<vmem>> -> memref<1x128xi32, #tpu.memory_space<vmem>>
    %dma_start3A_74 = tpu.memref_squeeze %dma_start3A_73 : memref<1x128xi32, #tpu.memory_space<vmem>> -> memref<128xi32, #tpu.memory_space<vmem>>
    %dma_start3A_75 = arith.constant 0 : i32
    %dma_start3A_76 = arith.constant 0 : i32
    %dma_start3A_77 = tpu.memref_slice %arg8[%dma_start3A_75, %dma_start3A_76] : memref<178x128xf32, #tpu.memory_space<vmem_shared>> -> memref<178x128xf32, #tpu.memory_space<vmem_shared>>
    tpu.enqueue_indirect_dma source(%dma_start3A_77 : memref<178x128xf32, #tpu.memory_space<vmem_shared>>) target(%dma_start3A_71 : memref<128x128xf32, #tpu.memory_space<vmem>>) offsets(%dma_start3A_74 : memref<128xi32, #tpu.memory_space<vmem>>) semaphore(%arg9 : memref<!tpu.dma_semaphore, #tpu.memory_space<semaphore_mem>>)
    %dma_wait3A_78 = arith.constant 1 : i32
    %dma_wait3A_79 = arith.constant 1 : i32
    %dma_wait3A_80 = arith.constant 0 : i32
    %dma_wait3A_81 = arith.constant 0 : i32
    %dma_wait3A_82 = tpu.memref_slice %arg6[%dma_wait3A_79, %dma_wait3A_80, %dma_wait3A_81] : memref<4x128x128xf32, #tpu.memory_space<vmem>> -> memref<1x128x128xf32, #tpu.memory_space<vmem>>
    %dma_wait3A_83 = tpu.memref_squeeze %dma_wait3A_82 : memref<1x128x128xf32, #tpu.memory_space<vmem>> -> memref<128x128xf32, #tpu.memory_space<vmem>>
    %dma_wait3A_84 = arith.constant 0 : i32
    %dma_wait3A_85 = tpu.memref_slice %arg5[%dma_wait3A_78, %dma_wait3A_84] : memref<128x128xi32, #tpu.memory_space<vmem>> -> memref<1x128xi32, #tpu.memory_space<vmem>>
    %dma_wait3A_86 = tpu.memref_squeeze %dma_wait3A_85 : memref<1x128xi32, #tpu.memory_space<vmem>> -> memref<128xi32, #tpu.memory_space<vmem>>
    %dma_wait3A_87 = arith.constant 0 : i32
    %dma_wait3A_88 = arith.constant 0 : i32
    %dma_wait3A_89 = tpu.memref_slice %arg8[%dma_wait3A_87, %dma_wait3A_88] : memref<178x128xf32, #tpu.memory_space<vmem_shared>> -> memref<178x128xf32, #tpu.memory_space<vmem_shared>>
    tpu.wait_indirect_dma semaphore(%arg9 : memref<!tpu.dma_semaphore, #tpu.memory_space<semaphore_mem>>) src(%dma_wait3A_89 : memref<178x128xf32, #tpu.memory_space<vmem_shared>>) dst(%dma_wait3A_83 : memref<128x128xf32, #tpu.memory_space<vmem>>)
    %add3A_90 = arith.constant 128 : i32
    %add3A_91 = arith.addi %mul3A_4, %add3A_90 : i32
    %dma_start3A_92 = arith.constant 1 : i32
    %dma_start3A_93 = arith.constant 0 : i32
    %dma_start3A_94 = arith.constant 0 : i32
    %dma_start3A_95 = tpu.memref_slice %arg6[%dma_start3A_92, %dma_start3A_93, %dma_start3A_94] : memref<4x128x128xf32, #tpu.memory_space<vmem>> -> memref<1x128x128xf32, #tpu.memory_space<vmem>>
    %dma_start3A_96 = tpu.memref_squeeze %dma_start3A_95 : memref<1x128x128xf32, #tpu.memory_space<vmem>> -> memref<128x128xf32, #tpu.memory_space<vmem>>
    %dma_start3A_97 = arith.constant 0 : i32
    %dma_start3A_98 = tpu.memref_slice %arg4[%add3A_91, %dma_start3A_97] : memref<524288x128xf32, #tpu.memory_space<hbm>> -> memref<128x128xf32, #tpu.memory_space<hbm>>
    %dma_start3A_99 = arith.constant 0 : i32
    %dma_start3A_100 = tpu.memref_slice %arg4[%add3A_91, %dma_start3A_99] : memref<524288x128xf32, #tpu.memory_space<hbm>> -> memref<128x128xf32, #tpu.memory_space<hbm>>
    %dma_start3A_101 = arith.constant 0 : i32
    %dma_start3A_102 = arith.constant 0 : i32
    %dma_start3A_103 = tpu.memref_slice %arg6[%dma_start3A_92, %dma_start3A_101, %dma_start3A_102] : memref<4x128x128xf32, #tpu.memory_space<vmem>> -> memref<1x128x128xf32, #tpu.memory_space<vmem>>
    %dma_start3A_104 = tpu.memref_squeeze %dma_start3A_103 : memref<1x128x128xf32, #tpu.memory_space<vmem>> -> memref<128x128xf32, #tpu.memory_space<vmem>>
    tpu.enqueue_dma source(%dma_start3A_104 : memref<128x128xf32, #tpu.memory_space<vmem>>) target(%dma_start3A_100 : memref<128x128xf32, #tpu.memory_space<hbm>>) target_semaphore(%arg10 : memref<!tpu.dma_semaphore, #tpu.memory_space<semaphore_mem>>)
    %scan3A = arith.constant 0 : i32
    %scan3A_105 = arith.constant 1 : i32
    %scan3A_106 = arith.constant 31 : i32
    %scan3A_107 = arith.addi %scan3A_105, %scan3A_106 : i32
    %scan3A_108 = arith.constant 1 : i32
    scf.for %scan3A_224 = %scan3A_105 to %scan3A_107 step %scan3A_108  : i32 {
      %mul3A_225 = arith.constant 4 : i32
      %mul3A_226 = arith.muli %scan3A_224, %mul3A_225 : i32
      %add3A_227 = arith.constant 0 : i32
      %add3A_228 = arith.addi %mul3A_226, %add3A_227 : i32
      %sub3A = arith.constant 4 : i32
      %sub3A_229 = arith.subi %add3A_228, %sub3A : i32
      %mul3A_230 = arith.constant 128 : i32
      %mul3A_231 = arith.muli %sub3A_229, %mul3A_230 : i32
      %add3A_232 = arith.addi %mul3A_4, %mul3A_231 : i32
      %dma_wait3A_233 = arith.constant 0 : i32
      %dma_wait3A_234 = arith.constant 0 : i32
      %dma_wait3A_235 = arith.constant 0 : i32
      %dma_wait3A_236 = tpu.memref_slice %arg6[%dma_wait3A_233, %dma_wait3A_234, %dma_wait3A_235] : memref<4x128x128xf32, #tpu.memory_space<vmem>> -> memref<1x128x128xf32, #tpu.memory_space<vmem>>
      %dma_wait3A_237 = tpu.memref_squeeze %dma_wait3A_236 : memref<1x128x128xf32, #tpu.memory_space<vmem>> -> memref<128x128xf32, #tpu.memory_space<vmem>>
      %dma_wait3A_238 = arith.constant 0 : i32
      %dma_wait3A_239 = tpu.memref_slice %arg4[%add3A_232, %dma_wait3A_238] : memref<524288x128xf32, #tpu.memory_space<hbm>> -> memref<128x128xf32, #tpu.memory_space<hbm>>
      %dma_wait3A_240 = arith.constant 0 : i32
      %dma_wait3A_241 = tpu.memref_slice %arg4[%add3A_232, %dma_wait3A_240] : memref<524288x128xf32, #tpu.memory_space<hbm>> -> memref<128x128xf32, #tpu.memory_space<hbm>>
      %dma_wait3A_242 = arith.constant 0 : i32
      %dma_wait3A_243 = arith.constant 0 : i32
      %dma_wait3A_244 = tpu.memref_slice %arg6[%dma_wait3A_233, %dma_wait3A_242, %dma_wait3A_243] : memref<4x128x128xf32, #tpu.memory_space<vmem>> -> memref<1x128x128xf32, #tpu.memory_space<vmem>>
      %dma_wait3A_245 = tpu.memref_squeeze %dma_wait3A_244 : memref<1x128x128xf32, #tpu.memory_space<vmem>> -> memref<128x128xf32, #tpu.memory_space<vmem>>
      tpu.wait_dma2 semaphore(%arg10 : memref<!tpu.dma_semaphore, #tpu.memory_space<semaphore_mem>>) src(%dma_wait3A_245 : memref<128x128xf32, #tpu.memory_space<vmem>>) dst(%dma_wait3A_241 : memref<128x128xf32, #tpu.memory_space<hbm>>)
      %dma_start3A_246 = arith.constant 0 : i32
      %dma_start3A_247 = arith.constant 0 : i32
      %dma_start3A_248 = arith.constant 0 : i32
      %dma_start3A_249 = tpu.memref_slice %arg6[%dma_start3A_246, %dma_start3A_247, %dma_start3A_248] : memref<4x128x128xf32, #tpu.memory_space<vmem>> -> memref<1x128x128xf32, #tpu.memory_space<vmem>>
      %dma_start3A_250 = tpu.memref_squeeze %dma_start3A_249 : memref<1x128x128xf32, #tpu.memory_space<vmem>> -> memref<128x128xf32, #tpu.memory_space<vmem>>
      %dma_start3A_251 = arith.constant 0 : i32
      %dma_start3A_252 = tpu.memref_slice %arg5[%add3A_228, %dma_start3A_251] : memref<128x128xi32, #tpu.memory_space<vmem>> -> memref<1x128xi32, #tpu.memory_space<vmem>>
      %dma_start3A_253 = tpu.memref_squeeze %dma_start3A_252 : memref<1x128xi32, #tpu.memory_space<vmem>> -> memref<128xi32, #tpu.memory_space<vmem>>
      %dma_start3A_254 = arith.constant 0 : i32
      %dma_start3A_255 = arith.constant 0 : i32
      %dma_start3A_256 = tpu.memref_slice %arg8[%dma_start3A_254, %dma_start3A_255] : memref<178x128xf32, #tpu.memory_space<vmem_shared>> -> memref<178x128xf32, #tpu.memory_space<vmem_shared>>
      tpu.enqueue_indirect_dma source(%dma_start3A_256 : memref<178x128xf32, #tpu.memory_space<vmem_shared>>) target(%dma_start3A_250 : memref<128x128xf32, #tpu.memory_space<vmem>>) offsets(%dma_start3A_253 : memref<128xi32, #tpu.memory_space<vmem>>) semaphore(%arg9 : memref<!tpu.dma_semaphore, #tpu.memory_space<semaphore_mem>>)
      %sub3A_257 = arith.constant 2 : i32
      %sub3A_258 = arith.subi %add3A_228, %sub3A_257 : i32
      %dma_wait3A_259 = arith.constant 2 : i32
      %dma_wait3A_260 = arith.constant 0 : i32
      %dma_wait3A_261 = arith.constant 0 : i32
      %dma_wait3A_262 = tpu.memref_slice %arg6[%dma_wait3A_259, %dma_wait3A_260, %dma_wait3A_261] : memref<4x128x128xf32, #tpu.memory_space<vmem>> -> memref<1x128x128xf32, #tpu.memory_space<vmem>>
      %dma_wait3A_263 = tpu.memref_squeeze %dma_wait3A_262 : memref<1x128x128xf32, #tpu.memory_space<vmem>> -> memref<128x128xf32, #tpu.memory_space<vmem>>
      %dma_wait3A_264 = arith.constant 0 : i32
      %dma_wait3A_265 = tpu.memref_slice %arg5[%sub3A_258, %dma_wait3A_264] : memref<128x128xi32, #tpu.memory_space<vmem>> -> memref<1x128xi32, #tpu.memory_space<vmem>>
      %dma_wait3A_266 = tpu.memref_squeeze %dma_wait3A_265 : memref<1x128xi32, #tpu.memory_space<vmem>> -> memref<128xi32, #tpu.memory_space<vmem>>
      %dma_wait3A_267 = arith.constant 0 : i32
      %dma_wait3A_268 = arith.constant 0 : i32
      %dma_wait3A_269 = tpu.memref_slice %arg8[%dma_wait3A_267, %dma_wait3A_268] : memref<178x128xf32, #tpu.memory_space<vmem_shared>> -> memref<178x128xf32, #tpu.memory_space<vmem_shared>>
      tpu.wait_indirect_dma semaphore(%arg9 : memref<!tpu.dma_semaphore, #tpu.memory_space<semaphore_mem>>) src(%dma_wait3A_269 : memref<178x128xf32, #tpu.memory_space<vmem_shared>>) dst(%dma_wait3A_263 : memref<128x128xf32, #tpu.memory_space<vmem>>)
      %sub3A_270 = arith.constant 2 : i32
      %sub3A_271 = arith.subi %add3A_228, %sub3A_270 : i32
      %mul3A_272 = arith.constant 128 : i32
      %mul3A_273 = arith.muli %sub3A_271, %mul3A_272 : i32
      %add3A_274 = arith.addi %mul3A_4, %mul3A_273 : i32
      %dma_start3A_275 = arith.constant 2 : i32
      %dma_start3A_276 = arith.constant 0 : i32
      %dma_start3A_277 = arith.constant 0 : i32
      %dma_start3A_278 = tpu.memref_slice %arg6[%dma_start3A_275, %dma_start3A_276, %dma_start3A_277] : memref<4x128x128xf32, #tpu.memory_space<vmem>> -> memref<1x128x128xf32, #tpu.memory_space<vmem>>
      %dma_start3A_279 = tpu.memref_squeeze %dma_start3A_278 : memref<1x128x128xf32, #tpu.memory_space<vmem>> -> memref<128x128xf32, #tpu.memory_space<vmem>>
      %dma_start3A_280 = arith.constant 0 : i32
      %dma_start3A_281 = tpu.memref_slice %arg4[%add3A_274, %dma_start3A_280] : memref<524288x128xf32, #tpu.memory_space<hbm>> -> memref<128x128xf32, #tpu.memory_space<hbm>>
      %dma_start3A_282 = arith.constant 0 : i32
      %dma_start3A_283 = tpu.memref_slice %arg4[%add3A_274, %dma_start3A_282] : memref<524288x128xf32, #tpu.memory_space<hbm>> -> memref<128x128xf32, #tpu.memory_space<hbm>>
      %dma_start3A_284 = arith.constant 0 : i32
      %dma_start3A_285 = arith.constant 0 : i32
      %dma_start3A_286 = tpu.memref_slice %arg6[%dma_start3A_275, %dma_start3A_284, %dma_start3A_285] : memref<4x128x128xf32, #tpu.memory_space<vmem>> -> memref<1x128x128xf32, #tpu.memory_space<vmem>>
      %dma_start3A_287 = tpu.memref_squeeze %dma_start3A_286 : memref<1x128x128xf32, #tpu.memory_space<vmem>> -> memref<128x128xf32, #tpu.memory_space<vmem>>
      tpu.enqueue_dma source(%dma_start3A_287 : memref<128x128xf32, #tpu.memory_space<vmem>>) target(%dma_start3A_283 : memref<128x128xf32, #tpu.memory_space<hbm>>) target_semaphore(%arg10 : memref<!tpu.dma_semaphore, #tpu.memory_space<semaphore_mem>>)
      %mul3A_288 = arith.constant 4 : i32
      %mul3A_289 = arith.muli %scan3A_224, %mul3A_288 : i32
      %add3A_290 = arith.constant 1 : i32
      %add3A_291 = arith.addi %mul3A_289, %add3A_290 : i32
      %sub3A_292 = arith.constant 4 : i32
      %sub3A_293 = arith.subi %add3A_291, %sub3A_292 : i32
      %mul3A_294 = arith.constant 128 : i32
      %mul3A_295 = arith.muli %sub3A_293, %mul3A_294 : i32
      %add3A_296 = arith.addi %mul3A_4, %mul3A_295 : i32
      %dma_wait3A_297 = arith.constant 1 : i32
      %dma_wait3A_298 = arith.constant 0 : i32
      %dma_wait3A_299 = arith.constant 0 : i32
      %dma_wait3A_300 = tpu.memref_slice %arg6[%dma_wait3A_297, %dma_wait3A_298, %dma_wait3A_299] : memref<4x128x128xf32, #tpu.memory_space<vmem>> -> memref<1x128x128xf32, #tpu.memory_space<vmem>>
      %dma_wait3A_301 = tpu.memref_squeeze %dma_wait3A_300 : memref<1x128x128xf32, #tpu.memory_space<vmem>> -> memref<128x128xf32, #tpu.memory_space<vmem>>
      %dma_wait3A_302 = arith.constant 0 : i32
      %dma_wait3A_303 = tpu.memref_slice %arg4[%add3A_296, %dma_wait3A_302] : memref<524288x128xf32, #tpu.memory_space<hbm>> -> memref<128x128xf32, #tpu.memory_space<hbm>>
      %dma_wait3A_304 = arith.constant 0 : i32
      %dma_wait3A_305 = tpu.memref_slice %arg4[%add3A_296, %dma_wait3A_304] : memref<524288x128xf32, #tpu.memory_space<hbm>> -> memref<128x128xf32, #tpu.memory_space<hbm>>
      %dma_wait3A_306 = arith.constant 0 : i32
      %dma_wait3A_307 = arith.constant 0 : i32
      %dma_wait3A_308 = tpu.memref_slice %arg6[%dma_wait3A_297, %dma_wait3A_306, %dma_wait3A_307] : memref<4x128x128xf32, #tpu.memory_space<vmem>> -> memref<1x128x128xf32, #tpu.memory_space<vmem>>
      %dma_wait3A_309 = tpu.memref_squeeze %dma_wait3A_308 : memref<1x128x128xf32, #tpu.memory_space<vmem>> -> memref<128x128xf32, #tpu.memory_space<vmem>>
      tpu.wait_dma2 semaphore(%arg10 : memref<!tpu.dma_semaphore, #tpu.memory_space<semaphore_mem>>) src(%dma_wait3A_309 : memref<128x128xf32, #tpu.memory_space<vmem>>) dst(%dma_wait3A_305 : memref<128x128xf32, #tpu.memory_space<hbm>>)
      %dma_start3A_310 = arith.constant 1 : i32
      %dma_start3A_311 = arith.constant 0 : i32
      %dma_start3A_312 = arith.constant 0 : i32
      %dma_start3A_313 = tpu.memref_slice %arg6[%dma_start3A_310, %dma_start3A_311, %dma_start3A_312] : memref<4x128x128xf32, #tpu.memory_space<vmem>> -> memref<1x128x128xf32, #tpu.memory_space<vmem>>
      %dma_start3A_314 = tpu.memref_squeeze %dma_start3A_313 : memref<1x128x128xf32, #tpu.memory_space<vmem>> -> memref<128x128xf32, #tpu.memory_space<vmem>>
      %dma_start3A_315 = arith.constant 0 : i32
      %dma_start3A_316 = tpu.memref_slice %arg5[%add3A_291, %dma_start3A_315] : memref<128x128xi32, #tpu.memory_space<vmem>> -> memref<1x128xi32, #tpu.memory_space<vmem>>
      %dma_start3A_317 = tpu.memref_squeeze %dma_start3A_316 : memref<1x128xi32, #tpu.memory_space<vmem>> -> memref<128xi32, #tpu.memory_space<vmem>>
      %dma_start3A_318 = arith.constant 0 : i32
      %dma_start3A_319 = arith.constant 0 : i32
      %dma_start3A_320 = tpu.memref_slice %arg8[%dma_start3A_318, %dma_start3A_319] : memref<178x128xf32, #tpu.memory_space<vmem_shared>> -> memref<178x128xf32, #tpu.memory_space<vmem_shared>>
      tpu.enqueue_indirect_dma source(%dma_start3A_320 : memref<178x128xf32, #tpu.memory_space<vmem_shared>>) target(%dma_start3A_314 : memref<128x128xf32, #tpu.memory_space<vmem>>) offsets(%dma_start3A_317 : memref<128xi32, #tpu.memory_space<vmem>>) semaphore(%arg9 : memref<!tpu.dma_semaphore, #tpu.memory_space<semaphore_mem>>)
      %sub3A_321 = arith.constant 2 : i32
      %sub3A_322 = arith.subi %add3A_291, %sub3A_321 : i32
      %dma_wait3A_323 = arith.constant 3 : i32
      %dma_wait3A_324 = arith.constant 0 : i32
      %dma_wait3A_325 = arith.constant 0 : i32
      %dma_wait3A_326 = tpu.memref_slice %arg6[%dma_wait3A_323, %dma_wait3A_324, %dma_wait3A_325] : memref<4x128x128xf32, #tpu.memory_space<vmem>> -> memref<1x128x128xf32, #tpu.memory_space<vmem>>
      %dma_wait3A_327 = tpu.memref_squeeze %dma_wait3A_326 : memref<1x128x128xf32, #tpu.memory_space<vmem>> -> memref<128x128xf32, #tpu.memory_space<vmem>>
      %dma_wait3A_328 = arith.constant 0 : i32
      %dma_wait3A_329 = tpu.memref_slice %arg5[%sub3A_322, %dma_wait3A_328] : memref<128x128xi32, #tpu.memory_space<vmem>> -> memref<1x128xi32, #tpu.memory_space<vmem>>
      %dma_wait3A_330 = tpu.memref_squeeze %dma_wait3A_329 : memref<1x128xi32, #tpu.memory_space<vmem>> -> memref<128xi32, #tpu.memory_space<vmem>>
      %dma_wait3A_331 = arith.constant 0 : i32
      %dma_wait3A_332 = arith.constant 0 : i32
      %dma_wait3A_333 = tpu.memref_slice %arg8[%dma_wait3A_331, %dma_wait3A_332] : memref<178x128xf32, #tpu.memory_space<vmem_shared>> -> memref<178x128xf32, #tpu.memory_space<vmem_shared>>
      tpu.wait_indirect_dma semaphore(%arg9 : memref<!tpu.dma_semaphore, #tpu.memory_space<semaphore_mem>>) src(%dma_wait3A_333 : memref<178x128xf32, #tpu.memory_space<vmem_shared>>) dst(%dma_wait3A_327 : memref<128x128xf32, #tpu.memory_space<vmem>>)
      %sub3A_334 = arith.constant 2 : i32
      %sub3A_335 = arith.subi %add3A_291, %sub3A_334 : i32
      %mul3A_336 = arith.constant 128 : i32
      %mul3A_337 = arith.muli %sub3A_335, %mul3A_336 : i32
      %add3A_338 = arith.addi %mul3A_4, %mul3A_337 : i32
      %dma_start3A_339 = arith.constant 3 : i32
      %dma_start3A_340 = arith.constant 0 : i32
      %dma_start3A_341 = arith.constant 0 : i32
      %dma_start3A_342 = tpu.memref_slice %arg6[%dma_start3A_339, %dma_start3A_340, %dma_start3A_341] : memref<4x128x128xf32, #tpu.memory_space<vmem>> -> memref<1x128x128xf32, #tpu.memory_space<vmem>>
      %dma_start3A_343 = tpu.memref_squeeze %dma_start3A_342 : memref<1x128x128xf32, #tpu.memory_space<vmem>> -> memref<128x128xf32, #tpu.memory_space<vmem>>
      %dma_start3A_344 = arith.constant 0 : i32
      %dma_start3A_345 = tpu.memref_slice %arg4[%add3A_338, %dma_start3A_344] : memref<524288x128xf32, #tpu.memory_space<hbm>> -> memref<128x128xf32, #tpu.memory_space<hbm>>
      %dma_start3A_346 = arith.constant 0 : i32
      %dma_start3A_347 = tpu.memref_slice %arg4[%add3A_338, %dma_start3A_346] : memref<524288x128xf32, #tpu.memory_space<hbm>> -> memref<128x128xf32, #tpu.memory_space<hbm>>
      %dma_start3A_348 = arith.constant 0 : i32
      %dma_start3A_349 = arith.constant 0 : i32
      %dma_start3A_350 = tpu.memref_slice %arg6[%dma_start3A_339, %dma_start3A_348, %dma_start3A_349] : memref<4x128x128xf32, #tpu.memory_space<vmem>> -> memref<1x128x128xf32, #tpu.memory_space<vmem>>
      %dma_start3A_351 = tpu.memref_squeeze %dma_start3A_350 : memref<1x128x128xf32, #tpu.memory_space<vmem>> -> memref<128x128xf32, #tpu.memory_space<vmem>>
      tpu.enqueue_dma source(%dma_start3A_351 : memref<128x128xf32, #tpu.memory_space<vmem>>) target(%dma_start3A_347 : memref<128x128xf32, #tpu.memory_space<hbm>>) target_semaphore(%arg10 : memref<!tpu.dma_semaphore, #tpu.memory_space<semaphore_mem>>)
      %mul3A_352 = arith.constant 4 : i32
      %mul3A_353 = arith.muli %scan3A_224, %mul3A_352 : i32
      %add3A_354 = arith.constant 2 : i32
      %add3A_355 = arith.addi %mul3A_353, %add3A_354 : i32
      %sub3A_356 = arith.constant 4 : i32
      %sub3A_357 = arith.subi %add3A_355, %sub3A_356 : i32
      %mul3A_358 = arith.constant 128 : i32
      %mul3A_359 = arith.muli %sub3A_357, %mul3A_358 : i32
      %add3A_360 = arith.addi %mul3A_4, %mul3A_359 : i32
      %dma_wait3A_361 = arith.constant 2 : i32
      %dma_wait3A_362 = arith.constant 0 : i32
      %dma_wait3A_363 = arith.constant 0 : i32
      %dma_wait3A_364 = tpu.memref_slice %arg6[%dma_wait3A_361, %dma_wait3A_362, %dma_wait3A_363] : memref<4x128x128xf32, #tpu.memory_space<vmem>> -> memref<1x128x128xf32, #tpu.memory_space<vmem>>
      %dma_wait3A_365 = tpu.memref_squeeze %dma_wait3A_364 : memref<1x128x128xf32, #tpu.memory_space<vmem>> -> memref<128x128xf32, #tpu.memory_space<vmem>>
      %dma_wait3A_366 = arith.constant 0 : i32
      %dma_wait3A_367 = tpu.memref_slice %arg4[%add3A_360, %dma_wait3A_366] : memref<524288x128xf32, #tpu.memory_space<hbm>> -> memref<128x128xf32, #tpu.memory_space<hbm>>
      %dma_wait3A_368 = arith.constant 0 : i32
      %dma_wait3A_369 = tpu.memref_slice %arg4[%add3A_360, %dma_wait3A_368] : memref<524288x128xf32, #tpu.memory_space<hbm>> -> memref<128x128xf32, #tpu.memory_space<hbm>>
      %dma_wait3A_370 = arith.constant 0 : i32
      %dma_wait3A_371 = arith.constant 0 : i32
      %dma_wait3A_372 = tpu.memref_slice %arg6[%dma_wait3A_361, %dma_wait3A_370, %dma_wait3A_371] : memref<4x128x128xf32, #tpu.memory_space<vmem>> -> memref<1x128x128xf32, #tpu.memory_space<vmem>>
      %dma_wait3A_373 = tpu.memref_squeeze %dma_wait3A_372 : memref<1x128x128xf32, #tpu.memory_space<vmem>> -> memref<128x128xf32, #tpu.memory_space<vmem>>
      tpu.wait_dma2 semaphore(%arg10 : memref<!tpu.dma_semaphore, #tpu.memory_space<semaphore_mem>>) src(%dma_wait3A_373 : memref<128x128xf32, #tpu.memory_space<vmem>>) dst(%dma_wait3A_369 : memref<128x128xf32, #tpu.memory_space<hbm>>)
      %dma_start3A_374 = arith.constant 2 : i32
      %dma_start3A_375 = arith.constant 0 : i32
      %dma_start3A_376 = arith.constant 0 : i32
      %dma_start3A_377 = tpu.memref_slice %arg6[%dma_start3A_374, %dma_start3A_375, %dma_start3A_376] : memref<4x128x128xf32, #tpu.memory_space<vmem>> -> memref<1x128x128xf32, #tpu.memory_space<vmem>>
      %dma_start3A_378 = tpu.memref_squeeze %dma_start3A_377 : memref<1x128x128xf32, #tpu.memory_space<vmem>> -> memref<128x128xf32, #tpu.memory_space<vmem>>
      %dma_start3A_379 = arith.constant 0 : i32
      %dma_start3A_380 = tpu.memref_slice %arg5[%add3A_355, %dma_start3A_379] : memref<128x128xi32, #tpu.memory_space<vmem>> -> memref<1x128xi32, #tpu.memory_space<vmem>>
      %dma_start3A_381 = tpu.memref_squeeze %dma_start3A_380 : memref<1x128xi32, #tpu.memory_space<vmem>> -> memref<128xi32, #tpu.memory_space<vmem>>
      %dma_start3A_382 = arith.constant 0 : i32
      %dma_start3A_383 = arith.constant 0 : i32
      %dma_start3A_384 = tpu.memref_slice %arg8[%dma_start3A_382, %dma_start3A_383] : memref<178x128xf32, #tpu.memory_space<vmem_shared>> -> memref<178x128xf32, #tpu.memory_space<vmem_shared>>
      tpu.enqueue_indirect_dma source(%dma_start3A_384 : memref<178x128xf32, #tpu.memory_space<vmem_shared>>) target(%dma_start3A_378 : memref<128x128xf32, #tpu.memory_space<vmem>>) offsets(%dma_start3A_381 : memref<128xi32, #tpu.memory_space<vmem>>) semaphore(%arg9 : memref<!tpu.dma_semaphore, #tpu.memory_space<semaphore_mem>>)
      %sub3A_385 = arith.constant 2 : i32
      %sub3A_386 = arith.subi %add3A_355, %sub3A_385 : i32
      %dma_wait3A_387 = arith.constant 0 : i32
      %dma_wait3A_388 = arith.constant 0 : i32
      %dma_wait3A_389 = arith.constant 0 : i32
      %dma_wait3A_390 = tpu.memref_slice %arg6[%dma_wait3A_387, %dma_wait3A_388, %dma_wait3A_389] : memref<4x128x128xf32, #tpu.memory_space<vmem>> -> memref<1x128x128xf32, #tpu.memory_space<vmem>>
      %dma_wait3A_391 = tpu.memref_squeeze %dma_wait3A_390 : memref<1x128x128xf32, #tpu.memory_space<vmem>> -> memref<128x128xf32, #tpu.memory_space<vmem>>
      %dma_wait3A_392 = arith.constant 0 : i32
      %dma_wait3A_393 = tpu.memref_slice %arg5[%sub3A_386, %dma_wait3A_392] : memref<128x128xi32, #tpu.memory_space<vmem>> -> memref<1x128xi32, #tpu.memory_space<vmem>>
      %dma_wait3A_394 = tpu.memref_squeeze %dma_wait3A_393 : memref<1x128xi32, #tpu.memory_space<vmem>> -> memref<128xi32, #tpu.memory_space<vmem>>
      %dma_wait3A_395 = arith.constant 0 : i32
      %dma_wait3A_396 = arith.constant 0 : i32
      %dma_wait3A_397 = tpu.memref_slice %arg8[%dma_wait3A_395, %dma_wait3A_396] : memref<178x128xf32, #tpu.memory_space<vmem_shared>> -> memref<178x128xf32, #tpu.memory_space<vmem_shared>>
      tpu.wait_indirect_dma semaphore(%arg9 : memref<!tpu.dma_semaphore, #tpu.memory_space<semaphore_mem>>) src(%dma_wait3A_397 : memref<178x128xf32, #tpu.memory_space<vmem_shared>>) dst(%dma_wait3A_391 : memref<128x128xf32, #tpu.memory_space<vmem>>)
      %sub3A_398 = arith.constant 2 : i32
      %sub3A_399 = arith.subi %add3A_355, %sub3A_398 : i32
      %mul3A_400 = arith.constant 128 : i32
      %mul3A_401 = arith.muli %sub3A_399, %mul3A_400 : i32
      %add3A_402 = arith.addi %mul3A_4, %mul3A_401 : i32
      %dma_start3A_403 = arith.constant 0 : i32
      %dma_start3A_404 = arith.constant 0 : i32
      %dma_start3A_405 = arith.constant 0 : i32
      %dma_start3A_406 = tpu.memref_slice %arg6[%dma_start3A_403, %dma_start3A_404, %dma_start3A_405] : memref<4x128x128xf32, #tpu.memory_space<vmem>> -> memref<1x128x128xf32, #tpu.memory_space<vmem>>
      %dma_start3A_407 = tpu.memref_squeeze %dma_start3A_406 : memref<1x128x128xf32, #tpu.memory_space<vmem>> -> memref<128x128xf32, #tpu.memory_space<vmem>>
      %dma_start3A_408 = arith.constant 0 : i32
      %dma_start3A_409 = tpu.memref_slice %arg4[%add3A_402, %dma_start3A_408] : memref<524288x128xf32, #tpu.memory_space<hbm>> -> memref<128x128xf32, #tpu.memory_space<hbm>>
      %dma_start3A_410 = arith.constant 0 : i32
      %dma_start3A_411 = tpu.memref_slice %arg4[%add3A_402, %dma_start3A_410] : memref<524288x128xf32, #tpu.memory_space<hbm>> -> memref<128x128xf32, #tpu.memory_space<hbm>>
      %dma_start3A_412 = arith.constant 0 : i32
      %dma_start3A_413 = arith.constant 0 : i32
      %dma_start3A_414 = tpu.memref_slice %arg6[%dma_start3A_403, %dma_start3A_412, %dma_start3A_413] : memref<4x128x128xf32, #tpu.memory_space<vmem>> -> memref<1x128x128xf32, #tpu.memory_space<vmem>>
      %dma_start3A_415 = tpu.memref_squeeze %dma_start3A_414 : memref<1x128x128xf32, #tpu.memory_space<vmem>> -> memref<128x128xf32, #tpu.memory_space<vmem>>
      tpu.enqueue_dma source(%dma_start3A_415 : memref<128x128xf32, #tpu.memory_space<vmem>>) target(%dma_start3A_411 : memref<128x128xf32, #tpu.memory_space<hbm>>) target_semaphore(%arg10 : memref<!tpu.dma_semaphore, #tpu.memory_space<semaphore_mem>>)
      %mul3A_416 = arith.constant 4 : i32
      %mul3A_417 = arith.muli %scan3A_224, %mul3A_416 : i32
      %add3A_418 = arith.constant 3 : i32
      %add3A_419 = arith.addi %mul3A_417, %add3A_418 : i32
      %sub3A_420 = arith.constant 4 : i32
      %sub3A_421 = arith.subi %add3A_419, %sub3A_420 : i32
      %mul3A_422 = arith.constant 128 : i32
      %mul3A_423 = arith.muli %sub3A_421, %mul3A_422 : i32
      %add3A_424 = arith.addi %mul3A_4, %mul3A_423 : i32
      %dma_wait3A_425 = arith.constant 3 : i32
      %dma_wait3A_426 = arith.constant 0 : i32
      %dma_wait3A_427 = arith.constant 0 : i32
      %dma_wait3A_428 = tpu.memref_slice %arg6[%dma_wait3A_425, %dma_wait3A_426, %dma_wait3A_427] : memref<4x128x128xf32, #tpu.memory_space<vmem>> -> memref<1x128x128xf32, #tpu.memory_space<vmem>>
      %dma_wait3A_429 = tpu.memref_squeeze %dma_wait3A_428 : memref<1x128x128xf32, #tpu.memory_space<vmem>> -> memref<128x128xf32, #tpu.memory_space<vmem>>
      %dma_wait3A_430 = arith.constant 0 : i32
      %dma_wait3A_431 = tpu.memref_slice %arg4[%add3A_424, %dma_wait3A_430] : memref<524288x128xf32, #tpu.memory_space<hbm>> -> memref<128x128xf32, #tpu.memory_space<hbm>>
      %dma_wait3A_432 = arith.constant 0 : i32
      %dma_wait3A_433 = tpu.memref_slice %arg4[%add3A_424, %dma_wait3A_432] : memref<524288x128xf32, #tpu.memory_space<hbm>> -> memref<128x128xf32, #tpu.memory_space<hbm>>
      %dma_wait3A_434 = arith.constant 0 : i32
      %dma_wait3A_435 = arith.constant 0 : i32
      %dma_wait3A_436 = tpu.memref_slice %arg6[%dma_wait3A_425, %dma_wait3A_434, %dma_wait3A_435] : memref<4x128x128xf32, #tpu.memory_space<vmem>> -> memref<1x128x128xf32, #tpu.memory_space<vmem>>
      %dma_wait3A_437 = tpu.memref_squeeze %dma_wait3A_436 : memref<1x128x128xf32, #tpu.memory_space<vmem>> -> memref<128x128xf32, #tpu.memory_space<vmem>>
      tpu.wait_dma2 semaphore(%arg10 : memref<!tpu.dma_semaphore, #tpu.memory_space<semaphore_mem>>) src(%dma_wait3A_437 : memref<128x128xf32, #tpu.memory_space<vmem>>) dst(%dma_wait3A_433 : memref<128x128xf32, #tpu.memory_space<hbm>>)
      %dma_start3A_438 = arith.constant 3 : i32
      %dma_start3A_439 = arith.constant 0 : i32
      %dma_start3A_440 = arith.constant 0 : i32
      %dma_start3A_441 = tpu.memref_slice %arg6[%dma_start3A_438, %dma_start3A_439, %dma_start3A_440] : memref<4x128x128xf32, #tpu.memory_space<vmem>> -> memref<1x128x128xf32, #tpu.memory_space<vmem>>
      %dma_start3A_442 = tpu.memref_squeeze %dma_start3A_441 : memref<1x128x128xf32, #tpu.memory_space<vmem>> -> memref<128x128xf32, #tpu.memory_space<vmem>>
      %dma_start3A_443 = arith.constant 0 : i32
      %dma_start3A_444 = tpu.memref_slice %arg5[%add3A_419, %dma_start3A_443] : memref<128x128xi32, #tpu.memory_space<vmem>> -> memref<1x128xi32, #tpu.memory_space<vmem>>
      %dma_start3A_445 = tpu.memref_squeeze %dma_start3A_444 : memref<1x128xi32, #tpu.memory_space<vmem>> -> memref<128xi32, #tpu.memory_space<vmem>>
      %dma_start3A_446 = arith.constant 0 : i32
      %dma_start3A_447 = arith.constant 0 : i32
      %dma_start3A_448 = tpu.memref_slice %arg8[%dma_start3A_446, %dma_start3A_447] : memref<178x128xf32, #tpu.memory_space<vmem_shared>> -> memref<178x128xf32, #tpu.memory_space<vmem_shared>>
      tpu.enqueue_indirect_dma source(%dma_start3A_448 : memref<178x128xf32, #tpu.memory_space<vmem_shared>>) target(%dma_start3A_442 : memref<128x128xf32, #tpu.memory_space<vmem>>) offsets(%dma_start3A_445 : memref<128xi32, #tpu.memory_space<vmem>>) semaphore(%arg9 : memref<!tpu.dma_semaphore, #tpu.memory_space<semaphore_mem>>)
      %sub3A_449 = arith.constant 2 : i32
      %sub3A_450 = arith.subi %add3A_419, %sub3A_449 : i32
      %dma_wait3A_451 = arith.constant 1 : i32
      %dma_wait3A_452 = arith.constant 0 : i32
      %dma_wait3A_453 = arith.constant 0 : i32
      %dma_wait3A_454 = tpu.memref_slice %arg6[%dma_wait3A_451, %dma_wait3A_452, %dma_wait3A_453] : memref<4x128x128xf32, #tpu.memory_space<vmem>> -> memref<1x128x128xf32, #tpu.memory_space<vmem>>
      %dma_wait3A_455 = tpu.memref_squeeze %dma_wait3A_454 : memref<1x128x128xf32, #tpu.memory_space<vmem>> -> memref<128x128xf32, #tpu.memory_space<vmem>>
      %dma_wait3A_456 = arith.constant 0 : i32
      %dma_wait3A_457 = tpu.memref_slice %arg5[%sub3A_450, %dma_wait3A_456] : memref<128x128xi32, #tpu.memory_space<vmem>> -> memref<1x128xi32, #tpu.memory_space<vmem>>
      %dma_wait3A_458 = tpu.memref_squeeze %dma_wait3A_457 : memref<1x128xi32, #tpu.memory_space<vmem>> -> memref<128xi32, #tpu.memory_space<vmem>>
      %dma_wait3A_459 = arith.constant 0 : i32
      %dma_wait3A_460 = arith.constant 0 : i32
      %dma_wait3A_461 = tpu.memref_slice %arg8[%dma_wait3A_459, %dma_wait3A_460] : memref<178x128xf32, #tpu.memory_space<vmem_shared>> -> memref<178x128xf32, #tpu.memory_space<vmem_shared>>
      tpu.wait_indirect_dma semaphore(%arg9 : memref<!tpu.dma_semaphore, #tpu.memory_space<semaphore_mem>>) src(%dma_wait3A_461 : memref<178x128xf32, #tpu.memory_space<vmem_shared>>) dst(%dma_wait3A_455 : memref<128x128xf32, #tpu.memory_space<vmem>>)
      %sub3A_462 = arith.constant 2 : i32
      %sub3A_463 = arith.subi %add3A_419, %sub3A_462 : i32
      %mul3A_464 = arith.constant 128 : i32
      %mul3A_465 = arith.muli %sub3A_463, %mul3A_464 : i32
      %add3A_466 = arith.addi %mul3A_4, %mul3A_465 : i32
      %dma_start3A_467 = arith.constant 1 : i32
      %dma_start3A_468 = arith.constant 0 : i32
      %dma_start3A_469 = arith.constant 0 : i32
      %dma_start3A_470 = tpu.memref_slice %arg6[%dma_start3A_467, %dma_start3A_468, %dma_start3A_469] : memref<4x128x128xf32, #tpu.memory_space<vmem>> -> memref<1x128x128xf32, #tpu.memory_space<vmem>>
      %dma_start3A_471 = tpu.memref_squeeze %dma_start3A_470 : memref<1x128x128xf32, #tpu.memory_space<vmem>> -> memref<128x128xf32, #tpu.memory_space<vmem>>
      %dma_start3A_472 = arith.constant 0 : i32
      %dma_start3A_473 = tpu.memref_slice %arg4[%add3A_466, %dma_start3A_472] : memref<524288x128xf32, #tpu.memory_space<hbm>> -> memref<128x128xf32, #tpu.memory_space<hbm>>
      %dma_start3A_474 = arith.constant 0 : i32
      %dma_start3A_475 = tpu.memref_slice %arg4[%add3A_466, %dma_start3A_474] : memref<524288x128xf32, #tpu.memory_space<hbm>> -> memref<128x128xf32, #tpu.memory_space<hbm>>
      %dma_start3A_476 = arith.constant 0 : i32
      %dma_start3A_477 = arith.constant 0 : i32
      %dma_start3A_478 = tpu.memref_slice %arg6[%dma_start3A_467, %dma_start3A_476, %dma_start3A_477] : memref<4x128x128xf32, #tpu.memory_space<vmem>> -> memref<1x128x128xf32, #tpu.memory_space<vmem>>
      %dma_start3A_479 = tpu.memref_squeeze %dma_start3A_478 : memref<1x128x128xf32, #tpu.memory_space<vmem>> -> memref<128x128xf32, #tpu.memory_space<vmem>>
      tpu.enqueue_dma source(%dma_start3A_479 : memref<128x128xf32, #tpu.memory_space<vmem>>) target(%dma_start3A_475 : memref<128x128xf32, #tpu.memory_space<hbm>>) target_semaphore(%arg10 : memref<!tpu.dma_semaphore, #tpu.memory_space<semaphore_mem>>)
    }
    %scan3A_109 = arith.constant 31 : i32
    %dma_wait3A_110 = arith.constant 126 : i32
    %dma_wait3A_111 = arith.constant 2 : i32
    %dma_wait3A_112 = arith.constant 0 : i32
    %dma_wait3A_113 = arith.constant 0 : i32
    %dma_wait3A_114 = tpu.memref_slice %arg6[%dma_wait3A_111, %dma_wait3A_112, %dma_wait3A_113] : memref<4x128x128xf32, #tpu.memory_space<vmem>> -> memref<1x128x128xf32, #tpu.memory_space<vmem>>
    %dma_wait3A_115 = tpu.memref_squeeze %dma_wait3A_114 : memref<1x128x128xf32, #tpu.memory_space<vmem>> -> memref<128x128xf32, #tpu.memory_space<vmem>>
    %dma_wait3A_116 = arith.constant 0 : i32
    %dma_wait3A_117 = tpu.memref_slice %arg5[%dma_wait3A_110, %dma_wait3A_116] : memref<128x128xi32, #tpu.memory_space<vmem>> -> memref<1x128xi32, #tpu.memory_space<vmem>>
    %dma_wait3A_118 = tpu.memref_squeeze %dma_wait3A_117 : memref<1x128xi32, #tpu.memory_space<vmem>> -> memref<128xi32, #tpu.memory_space<vmem>>
    %dma_wait3A_119 = arith.constant 0 : i32
    %dma_wait3A_120 = arith.constant 0 : i32
    %dma_wait3A_121 = tpu.memref_slice %arg8[%dma_wait3A_119, %dma_wait3A_120] : memref<178x128xf32, #tpu.memory_space<vmem_shared>> -> memref<178x128xf32, #tpu.memory_space<vmem_shared>>
    tpu.wait_indirect_dma semaphore(%arg9 : memref<!tpu.dma_semaphore, #tpu.memory_space<semaphore_mem>>) src(%dma_wait3A_121 : memref<178x128xf32, #tpu.memory_space<vmem_shared>>) dst(%dma_wait3A_115 : memref<128x128xf32, #tpu.memory_space<vmem>>)
    %add3A_122 = arith.constant 16128 : i32
    %add3A_123 = arith.addi %mul3A_4, %add3A_122 : i32
    %dma_start3A_124 = arith.constant 2 : i32
    %dma_start3A_125 = arith.constant 0 : i32
    %dma_start3A_126 = arith.constant 0 : i32
    %dma_start3A_127 = tpu.memref_slice %arg6[%dma_start3A_124, %dma_start3A_125, %dma_start3A_126] : memref<4x128x128xf32, #tpu.memory_space<vmem>> -> memref<1x128x128xf32, #tpu.memory_space<vmem>>
    %dma_start3A_128 = tpu.memref_squeeze %dma_start3A_127 : memref<1x128x128xf32, #tpu.memory_space<vmem>> -> memref<128x128xf32, #tpu.memory_space<vmem>>
    %dma_start3A_129 = arith.constant 0 : i32
    %dma_start3A_130 = tpu.memref_slice %arg4[%add3A_123, %dma_start3A_129] : memref<524288x128xf32, #tpu.memory_space<hbm>> -> memref<128x128xf32, #tpu.memory_space<hbm>>
    %dma_start3A_131 = arith.constant 0 : i32
    %dma_start3A_132 = tpu.memref_slice %arg4[%add3A_123, %dma_start3A_131] : memref<524288x128xf32, #tpu.memory_space<hbm>> -> memref<128x128xf32, #tpu.memory_space<hbm>>
    %dma_start3A_133 = arith.constant 0 : i32
    %dma_start3A_134 = arith.constant 0 : i32
    %dma_start3A_135 = tpu.memref_slice %arg6[%dma_start3A_124, %dma_start3A_133, %dma_start3A_134] : memref<4x128x128xf32, #tpu.memory_space<vmem>> -> memref<1x128x128xf32, #tpu.memory_space<vmem>>
    %dma_start3A_136 = tpu.memref_squeeze %dma_start3A_135 : memref<1x128x128xf32, #tpu.memory_space<vmem>> -> memref<128x128xf32, #tpu.memory_space<vmem>>
    tpu.enqueue_dma source(%dma_start3A_136 : memref<128x128xf32, #tpu.memory_space<vmem>>) target(%dma_start3A_132 : memref<128x128xf32, #tpu.memory_space<hbm>>) target_semaphore(%arg10 : memref<!tpu.dma_semaphore, #tpu.memory_space<semaphore_mem>>)
    %dma_wait3A_137 = arith.constant 127 : i32
    %dma_wait3A_138 = arith.constant 3 : i32
    %dma_wait3A_139 = arith.constant 0 : i32
    %dma_wait3A_140 = arith.constant 0 : i32
    %dma_wait3A_141 = tpu.memref_slice %arg6[%dma_wait3A_138, %dma_wait3A_139, %dma_wait3A_140] : memref<4x128x128xf32, #tpu.memory_space<vmem>> -> memref<1x128x128xf32, #tpu.memory_space<vmem>>
    %dma_wait3A_142 = tpu.memref_squeeze %dma_wait3A_141 : memref<1x128x128xf32, #tpu.memory_space<vmem>> -> memref<128x128xf32, #tpu.memory_space<vmem>>
    %dma_wait3A_143 = arith.constant 0 : i32
    %dma_wait3A_144 = tpu.memref_slice %arg5[%dma_wait3A_137, %dma_wait3A_143] : memref<128x128xi32, #tpu.memory_space<vmem>> -> memref<1x128xi32, #tpu.memory_space<vmem>>
    %dma_wait3A_145 = tpu.memref_squeeze %dma_wait3A_144 : memref<1x128xi32, #tpu.memory_space<vmem>> -> memref<128xi32, #tpu.memory_space<vmem>>
    %dma_wait3A_146 = arith.constant 0 : i32
    %dma_wait3A_147 = arith.constant 0 : i32
    %dma_wait3A_148 = tpu.memref_slice %arg8[%dma_wait3A_146, %dma_wait3A_147] : memref<178x128xf32, #tpu.memory_space<vmem_shared>> -> memref<178x128xf32, #tpu.memory_space<vmem_shared>>
    tpu.wait_indirect_dma semaphore(%arg9 : memref<!tpu.dma_semaphore, #tpu.memory_space<semaphore_mem>>) src(%dma_wait3A_148 : memref<178x128xf32, #tpu.memory_space<vmem_shared>>) dst(%dma_wait3A_142 : memref<128x128xf32, #tpu.memory_space<vmem>>)
    %add3A_149 = arith.constant 16256 : i32
    %add3A_150 = arith.addi %mul3A_4, %add3A_149 : i32
    %dma_start3A_151 = arith.constant 3 : i32
    %dma_start3A_152 = arith.constant 0 : i32
    %dma_start3A_153 = arith.constant 0 : i32
    %dma_start3A_154 = tpu.memref_slice %arg6[%dma_start3A_151, %dma_start3A_152, %dma_start3A_153] : memref<4x128x128xf32, #tpu.memory_space<vmem>> -> memref<1x128x128xf32, #tpu.memory_space<vmem>>
    %dma_start3A_155 = tpu.memref_squeeze %dma_start3A_154 : memref<1x128x128xf32, #tpu.memory_space<vmem>> -> memref<128x128xf32, #tpu.memory_space<vmem>>
    %dma_start3A_156 = arith.constant 0 : i32
    %dma_start3A_157 = tpu.memref_slice %arg4[%add3A_150, %dma_start3A_156] : memref<524288x128xf32, #tpu.memory_space<hbm>> -> memref<128x128xf32, #tpu.memory_space<hbm>>
    %dma_start3A_158 = arith.constant 0 : i32
    %dma_start3A_159 = tpu.memref_slice %arg4[%add3A_150, %dma_start3A_158] : memref<524288x128xf32, #tpu.memory_space<hbm>> -> memref<128x128xf32, #tpu.memory_space<hbm>>
    %dma_start3A_160 = arith.constant 0 : i32
    %dma_start3A_161 = arith.constant 0 : i32
    %dma_start3A_162 = tpu.memref_slice %arg6[%dma_start3A_151, %dma_start3A_160, %dma_start3A_161] : memref<4x128x128xf32, #tpu.memory_space<vmem>> -> memref<1x128x128xf32, #tpu.memory_space<vmem>>
    %dma_start3A_163 = tpu.memref_squeeze %dma_start3A_162 : memref<1x128x128xf32, #tpu.memory_space<vmem>> -> memref<128x128xf32, #tpu.memory_space<vmem>>
    tpu.enqueue_dma source(%dma_start3A_163 : memref<128x128xf32, #tpu.memory_space<vmem>>) target(%dma_start3A_159 : memref<128x128xf32, #tpu.memory_space<hbm>>) target_semaphore(%arg10 : memref<!tpu.dma_semaphore, #tpu.memory_space<semaphore_mem>>)
    %add3A_164 = arith.constant 15872 : i32
    %add3A_165 = arith.addi %mul3A_4, %add3A_164 : i32
    %dma_wait3A_166 = arith.constant 0 : i32
    %dma_wait3A_167 = arith.constant 0 : i32
    %dma_wait3A_168 = arith.constant 0 : i32
    %dma_wait3A_169 = tpu.memref_slice %arg6[%dma_wait3A_166, %dma_wait3A_167, %dma_wait3A_168] : memref<4x128x128xf32, #tpu.memory_space<vmem>> -> memref<1x128x128xf32, #tpu.memory_space<vmem>>
    %dma_wait3A_170 = tpu.memref_squeeze %dma_wait3A_169 : memref<1x128x128xf32, #tpu.memory_space<vmem>> -> memref<128x128xf32, #tpu.memory_space<vmem>>
    %dma_wait3A_171 = arith.constant 0 : i32
    %dma_wait3A_172 = tpu.memref_slice %arg4[%add3A_165, %dma_wait3A_171] : memref<524288x128xf32, #tpu.memory_space<hbm>> -> memref<128x128xf32, #tpu.memory_space<hbm>>
    %dma_wait3A_173 = arith.constant 0 : i32
    %dma_wait3A_174 = tpu.memref_slice %arg4[%add3A_165, %dma_wait3A_173] : memref<524288x128xf32, #tpu.memory_space<hbm>> -> memref<128x128xf32, #tpu.memory_space<hbm>>
    %dma_wait3A_175 = arith.constant 0 : i32
    %dma_wait3A_176 = arith.constant 0 : i32
    %dma_wait3A_177 = tpu.memref_slice %arg6[%dma_wait3A_166, %dma_wait3A_175, %dma_wait3A_176] : memref<4x128x128xf32, #tpu.memory_space<vmem>> -> memref<1x128x128xf32, #tpu.memory_space<vmem>>
    %dma_wait3A_178 = tpu.memref_squeeze %dma_wait3A_177 : memref<1x128x128xf32, #tpu.memory_space<vmem>> -> memref<128x128xf32, #tpu.memory_space<vmem>>
    tpu.wait_dma2 semaphore(%arg10 : memref<!tpu.dma_semaphore, #tpu.memory_space<semaphore_mem>>) src(%dma_wait3A_178 : memref<128x128xf32, #tpu.memory_space<vmem>>) dst(%dma_wait3A_174 : memref<128x128xf32, #tpu.memory_space<hbm>>)
    %add3A_179 = arith.constant 16000 : i32
    %add3A_180 = arith.addi %mul3A_4, %add3A_179 : i32
    %dma_wait3A_181 = arith.constant 1 : i32
    %dma_wait3A_182 = arith.constant 0 : i32
    %dma_wait3A_183 = arith.constant 0 : i32
    %dma_wait3A_184 = tpu.memref_slice %arg6[%dma_wait3A_181, %dma_wait3A_182, %dma_wait3A_183] : memref<4x128x128xf32, #tpu.memory_space<vmem>> -> memref<1x128x128xf32, #tpu.memory_space<vmem>>
    %dma_wait3A_185 = tpu.memref_squeeze %dma_wait3A_184 : memref<1x128x128xf32, #tpu.memory_space<vmem>> -> memref<128x128xf32, #tpu.memory_space<vmem>>
    %dma_wait3A_186 = arith.constant 0 : i32
    %dma_wait3A_187 = tpu.memref_slice %arg4[%add3A_180, %dma_wait3A_186] : memref<524288x128xf32, #tpu.memory_space<hbm>> -> memref<128x128xf32, #tpu.memory_space<hbm>>
    %dma_wait3A_188 = arith.constant 0 : i32
    %dma_wait3A_189 = tpu.memref_slice %arg4[%add3A_180, %dma_wait3A_188] : memref<524288x128xf32, #tpu.memory_space<hbm>> -> memref<128x128xf32, #tpu.memory_space<hbm>>
    %dma_wait3A_190 = arith.constant 0 : i32
    %dma_wait3A_191 = arith.constant 0 : i32
    %dma_wait3A_192 = tpu.memref_slice %arg6[%dma_wait3A_181, %dma_wait3A_190, %dma_wait3A_191] : memref<4x128x128xf32, #tpu.memory_space<vmem>> -> memref<1x128x128xf32, #tpu.memory_space<vmem>>
    %dma_wait3A_193 = tpu.memref_squeeze %dma_wait3A_192 : memref<1x128x128xf32, #tpu.memory_space<vmem>> -> memref<128x128xf32, #tpu.memory_space<vmem>>
    tpu.wait_dma2 semaphore(%arg10 : memref<!tpu.dma_semaphore, #tpu.memory_space<semaphore_mem>>) src(%dma_wait3A_193 : memref<128x128xf32, #tpu.memory_space<vmem>>) dst(%dma_wait3A_189 : memref<128x128xf32, #tpu.memory_space<hbm>>)
    %add3A_194 = arith.constant 16128 : i32
    %add3A_195 = arith.addi %mul3A_4, %add3A_194 : i32
    %dma_wait3A_196 = arith.constant 2 : i32
    %dma_wait3A_197 = arith.constant 0 : i32
    %dma_wait3A_198 = arith.constant 0 : i32
    %dma_wait3A_199 = tpu.memref_slice %arg6[%dma_wait3A_196, %dma_wait3A_197, %dma_wait3A_198] : memref<4x128x128xf32, #tpu.memory_space<vmem>> -> memref<1x128x128xf32, #tpu.memory_space<vmem>>
    %dma_wait3A_200 = tpu.memref_squeeze %dma_wait3A_199 : memref<1x128x128xf32, #tpu.memory_space<vmem>> -> memref<128x128xf32, #tpu.memory_space<vmem>>
    %dma_wait3A_201 = arith.constant 0 : i32
    %dma_wait3A_202 = tpu.memref_slice %arg4[%add3A_195, %dma_wait3A_201] : memref<524288x128xf32, #tpu.memory_space<hbm>> -> memref<128x128xf32, #tpu.memory_space<hbm>>
    %dma_wait3A_203 = arith.constant 0 : i32
    %dma_wait3A_204 = tpu.memref_slice %arg4[%add3A_195, %dma_wait3A_203] : memref<524288x128xf32, #tpu.memory_space<hbm>> -> memref<128x128xf32, #tpu.memory_space<hbm>>
    %dma_wait3A_205 = arith.constant 0 : i32
    %dma_wait3A_206 = arith.constant 0 : i32
    %dma_wait3A_207 = tpu.memref_slice %arg6[%dma_wait3A_196, %dma_wait3A_205, %dma_wait3A_206] : memref<4x128x128xf32, #tpu.memory_space<vmem>> -> memref<1x128x128xf32, #tpu.memory_space<vmem>>
    %dma_wait3A_208 = tpu.memref_squeeze %dma_wait3A_207 : memref<1x128x128xf32, #tpu.memory_space<vmem>> -> memref<128x128xf32, #tpu.memory_space<vmem>>
    tpu.wait_dma2 semaphore(%arg10 : memref<!tpu.dma_semaphore, #tpu.memory_space<semaphore_mem>>) src(%dma_wait3A_208 : memref<128x128xf32, #tpu.memory_space<vmem>>) dst(%dma_wait3A_204 : memref<128x128xf32, #tpu.memory_space<hbm>>)
    %add3A_209 = arith.constant 16256 : i32
    %add3A_210 = arith.addi %mul3A_4, %add3A_209 : i32
    %dma_wait3A_211 = arith.constant 3 : i32
    %dma_wait3A_212 = arith.constant 0 : i32
    %dma_wait3A_213 = arith.constant 0 : i32
    %dma_wait3A_214 = tpu.memref_slice %arg6[%dma_wait3A_211, %dma_wait3A_212, %dma_wait3A_213] : memref<4x128x128xf32, #tpu.memory_space<vmem>> -> memref<1x128x128xf32, #tpu.memory_space<vmem>>
    %dma_wait3A_215 = tpu.memref_squeeze %dma_wait3A_214 : memref<1x128x128xf32, #tpu.memory_space<vmem>> -> memref<128x128xf32, #tpu.memory_space<vmem>>
    %dma_wait3A_216 = arith.constant 0 : i32
    %dma_wait3A_217 = tpu.memref_slice %arg4[%add3A_210, %dma_wait3A_216] : memref<524288x128xf32, #tpu.memory_space<hbm>> -> memref<128x128xf32, #tpu.memory_space<hbm>>
    %dma_wait3A_218 = arith.constant 0 : i32
    %dma_wait3A_219 = tpu.memref_slice %arg4[%add3A_210, %dma_wait3A_218] : memref<524288x128xf32, #tpu.memory_space<hbm>> -> memref<128x128xf32, #tpu.memory_space<hbm>>
    %dma_wait3A_220 = arith.constant 0 : i32
    %dma_wait3A_221 = arith.constant 0 : i32
    %dma_wait3A_222 = tpu.memref_slice %arg6[%dma_wait3A_211, %dma_wait3A_220, %dma_wait3A_221] : memref<4x128x128xf32, #tpu.memory_space<vmem>> -> memref<1x128x128xf32, #tpu.memory_space<vmem>>
    %dma_wait3A_223 = tpu.memref_squeeze %dma_wait3A_222 : memref<1x128x128xf32, #tpu.memory_space<vmem>> -> memref<128x128xf32, #tpu.memory_space<vmem>>
    tpu.wait_dma2 semaphore(%arg10 : memref<!tpu.dma_semaphore, #tpu.memory_space<semaphore_mem>>) src(%dma_wait3A_223 : memref<128x128xf32, #tpu.memory_space<vmem>>) dst(%dma_wait3A_219 : memref<128x128xf32, #tpu.memory_space<hbm>>)
    return
  }
}

</mosaic_0001>

<sc_bundles>
// kernel: kernel.3.cloned.1.call-start
scs
__scs_entry_jumppad:
0x0: {  	(pc) =	sbr.rel $0x88, $3  }
0x1: {  	(tag) =	ssettag $0x0;
	lr =	simm.s32 $0x1  }
0x2: {  	[smem:$0x3F9F] =	sst lr;
	_ =	strace $0xD0000000  }
0x3: {  	_ = 	snop  }
0x4: {  	_ = 	snop  }
0x5: {  	_ = 	snop  }
0x6: {  	_ = 	snop  }
0x7: {  	_ = 	snop  }
__scs_overlays_trampoline_lowered:
0x8: {  	[smem:$0x3FAE] =	sst s0  }
0x9: {  	[smem:$0x3FAF] =	sst s1  }
0xa: {  	[smem:$0x3FB0] =	sst s2  }
0xb: {  	[smem:$0x3FB1] =	sst s3  }
0xc: {  	[smem:$0x3FB2] =	sst s4  }
0xd: {  	[smem:$0x3FB3] =	sst s5  }
0xe: {  	[smem:$0x3FB4] =	sst s6  }
0xf: {  	[smem:$0x3FB5] =	sst s7  }
0x10: {  	[smem:$0x3FB6] =	sst s8  }
0x11: {  	[smem:$0x3FB7] =	sst s9;
	s0 =	simm.s32 @!p0 $0x0  }
0x12: {  	s1 =	sld [smem:$0x3F9D];
	s0 =	simm.s32 @p0 $0x1  }
0x13: {  	[smem:$0x3FB8] =	sst s0;
	s0 =	simm.s32 @!p1 $0x0  }
0x14: {  	s2 =	sld [smem:$0x3F9C];
	s0 =	simm.s32 @p1 $0x1  }
0x15: {  	[smem:$0x3FB9] =	sst s0;
	s0 =	simm.s32 @!p2 $0x0  }
0x16: {  	s3 =	sld [smem:$0x3FDB];
	s0 =	simm.s32 @p2 $0x1  }
0x17: {  	s4 =	simm.s32 $0x1BF5;
	[smem:$0x3FBB] =	sst s0  }
0x18: {  	s0 =	sld [smem:$0x3F9E];
	_ =	swait.ge [sflag:s4], $0x0  }
0x19: {  	s7 =	sld [smem:$0x3F9F]  }
0x1a: {  	s8 =	sadd.s32 $0xFFFFE003, lr  }
0x1b: {  	s9 =	sadd.s32 $0xFFFFFEF7, lr;
	s5 =	simm.s32 $0xFFFFFFFF;
	p2 =	slt.u32 s8, $0xFFFFF086  }
0x1c: {  	p1 =	slt.u32 s9, $0xF7A;
	s5 =	simm.s32 @!p2 $0x0  }
0x1d: {  	s5 =	simm.s32 @p1 $0x1;
	p0 =	seq.s32 s7, s2  }
0x1e: {  	s7 =	smul.u32 @!p0 $0xF7A, s2;
	p2 =	seq.s32 @!p0 s5, $0x0  }
0x1f: {  	s9 =	smul.u32 $0xF7A, s1;
	s8 =	simm.s32 @!p0 $0x1BF5;
	p2 =	por !p2, p0  }
0x20: {  	[sflag:s8] =	ssyncset.s32 @!p0 $0xFFFFF086;
	s6 =	sadd.s32 @!p0 s3, s7;
	s7 =	simm.s32 @!p0 $0x108  }
0x21: {  	s3 =	sadd.s32 s3, s9;
	s6 =	sadd.s32 @!p0 $0x88, s6;
	s7 =	simm.s32 @p2 $0x1082  }
0x22: {  	[simem:s7], [sflag:s8] =	dma.local @!p0 [hbm:s6], $0xF7A  }
0x23: {  	s9 =	sor.u32 $0xD0000000, s2;
	s6 =	simm.s32 $0x108;
	_ =	swait.ge @!p0 [sflag:s8], $0x0  }
0x24: {  	s3 =	sadd.s32 $0x88, s3;
	s6 =	simm.s32 @!p1 $0x1082;
	[sflag:s4] =	ssyncset.s32 $0xFFFFF086  }
0x25: {  	[simem:s6], [sflag:s4] =	dma.local [hbm:s3], $0xF7A  }
0x26: {  	[smem:$0x3F9F] =	sst s1;
	(tag) =	ssettag s2;
	_ =	strace s9  }
0x27: {  	s1 =	sld [smem:$0x3FAF]  }
0x28: {  	s2 =	sld [smem:$0x3FB0]  }
0x29: {  	s4 =	sld [smem:$0x3FB2]  }
0x2a: {  	p0 =	seq.s32 s5, $0x0;
	s5 =	sld [smem:$0x3FB3]  }
0x2b: {  	s6 =	sld [smem:$0x3FB4]  }
0x2c: {  	s7 =	sld [smem:$0x3FB5]  }
0x2d: {  	s3 =	simm.s32 $0x108;
	s8 =	sld [smem:$0x3FB6]  }
0x2e: {  	s3 =	simm.s32 @!p0 $0x1082;
	s9 =	sld [smem:$0x3FB7]  }
0x2f: {  	lr =	sadd.s32 s0, s3;
	s0 =	sld [smem:$0x3FAE]  }
0x30: {  	s3 =	sld [smem:$0x3FB1]  }
0x31: {  	[smem:$0x3FBA] =	sst s10  }
0x32: {  	s10 =	sld [smem:$0x3FB8];
	_ =	sdelay $0x3  }
0x33: {  	p0 =	seq.s32 s10, $0x1;
	s10 =	sld [smem:$0x3FBA];
	_ =	sdelay $0x3  }
0x34: {  	[smem:$0x3FBA] =	sst s10  }
0x35: {  	s10 =	sld [smem:$0x3FB9];
	_ =	sdelay $0x3  }
0x36: {  	p1 =	seq.s32 s10, $0x1;
	s10 =	sld [smem:$0x3FBA];
	_ =	sdelay $0x3  }
0x37: {  	[smem:$0x3FBA] =	sst s10  }
0x38: {  	s10 =	sld [smem:$0x3FBB]  }
0x39: {  	_ = 	snop;
	(pc) =	sbr.ind lr, $3  }
0x3a: {  	_ = 	snop  }
0x3b: {  	_ = 	snop  }
0x3c: {  	p2 =	seq.s32 s10, $0x1;
	s10 =	sld [smem:$0x3FBA]  }
0x3d: {  	_ =	shalt  }
0x3e: {  	_ =	shalt  }
0x3f: {  	_ =	shalt  }
0x40: {  	_ =	shalt  }
0x41: {  	_ =	shalt  }
0x42: {  	_ =	shalt  }
0x43: {  	_ =	shalt  }
0x44: {  	_ =	shalt  }
0x45: {  	_ =	shalt  }
0x46: {  	_ =	shalt  }
0x47: {  	_ =	shalt  }
0x48: {  	_ =	shalt  }
0x49: {  	_ =	shalt  }
0x4a: {  	_ =	shalt  }
0x4b: {  	_ =	shalt  }
0x4c: {  	_ =	shalt  }
0x4d: {  	_ =	shalt  }
0x4e: {  	_ =	shalt  }
0x4f: {  	_ =	shalt  }
0x50: {  	_ =	shalt  }
0x51: {  	_ =	shalt  }
0x52: {  	_ =	shalt  }
0x53: {  	_ =	shalt  }
0x54: {  	_ =	shalt  }
0x55: {  	_ =	shalt  }
0x56: {  	_ =	shalt  }
0x57: {  	_ =	shalt  }
0x58: {  	_ =	shalt  }
0x59: {  	_ =	shalt  }
0x5a: {  	_ =	shalt  }
0x5b: {  	_ =	shalt  }
0x5c: {  	_ =	shalt  }
0x5d: {  	_ =	shalt  }
0x5e: {  	_ =	shalt  }
0x5f: {  	_ =	shalt  }
0x60: {  	_ =	shalt  }
0x61: {  	_ =	shalt  }
0x62: {  	_ =	shalt  }
0x63: {  	_ =	shalt  }
0x64: {  	_ =	shalt  }
0x65: {  	_ =	shalt  }
0x66: {  	_ =	shalt  }
0x67: {  	_ =	shalt  }
0x68: {  	_ =	shalt  }
0x69: {  	_ =	shalt  }
0x6a: {  	_ =	shalt  }
0x6b: {  	_ =	shalt  }
0x6c: {  	_ =	shalt  }
0x6d: {  	_ =	shalt  }
0x6e: {  	_ =	shalt  }
0x6f: {  	_ =	shalt  }
0x70: {  	_ =	shalt  }
0x71: {  	_ =	shalt  }
0x72: {  	_ =	shalt  }
0x73: {  	_ =	shalt  }
0x74: {  	_ =	shalt  }
0x75: {  	_ =	shalt  }
0x76: {  	_ =	shalt  }
0x77: {  	_ =	shalt  }
0x78: {  	_ =	shalt  }
0x79: {  	_ =	shalt  }
0x7a: {  	_ =	shalt  }
0x7b: {  	_ =	shalt  }
0x7c: {  	_ =	shalt  }
0x7d: {  	_ =	shalt  }
0x7e: {  	_ =	shalt  }
0x7f: {  	_ =	shalt  }
0x80: {  	_ =	shalt  }
0x81: {  	_ =	shalt  }
0x82: {  	_ =	shalt  }
0x83: {  	_ =	shalt  }
0x84: {  	_ =	shalt  }
0x85: {  	_ =	shalt  }
0x86: {  	_ =	shalt  }
0x87: {  	_ =	shalt  }
.Lfunc_end0:
.L_simem_size_0:
called_computation_lowered:
.L_overlay_start_0:
0x88: {  	s2 =	sld [smem:$0x3FD9]  }
0x89: {  	s3 =	sld [smem:$0x3FFE];
	_ =	sdelay $0x1  }
0x8a: {  	s1 =	srdreg.scid  }
0x8b: {  	s0 =	sand.u32 $0x1, s1  }
0x8c: {  	s17 =	sshll.u32 s0, $0xA;
	s2 =	sadd.s32 s3, s2  }
0x8d: {  	s2 =	sadd.s32 s2, s17  }
0x8e: {  	[smem:$0x3FC6] =	sst s2  }
0x8f: {  	_ = 	snop  }
0x90: {  	s2 =	sld [smem:$0x3FC8]  }
0x91: {  	s18 =	sld [smem:$0x3FD0];
	(tm) =	ssettm $0x1  }
0x92: {  	s4 =	sld [smem:$0x3FFB];
	_ =	sdelay $0x3  }
0x93: {  	_ =	strace s4  }
0x94: {  	s4 =	sld [smem:$0x3FFC];
	_ =	sdelay $0x3  }
0x95: {  	_ =	strace s4  }
0x96: {  	s4 =	sld [smem:$0x3FFD];
	_ =	sdelay $0x3  }
0x97: {  	_ =	strace s4  }
0x98: {  	_ =	strace $0x8FFFFFFF  }
0x99: {  	s19 =	sld [smem:$0x3FDB];
	_ =	sdelay $0x1  }
0x9a: {  	s5 =	simm.s32 $_scs_section_size  }
0x9b: {  	s6 =	simm.s32 $_size__tile_overlayer_lowered;
	s7 =	simm.s32 $_tile_overlayer_lowered  }
0x9c: {  	s22 =	simm.s32 $0x1BFF;
	s21 =	sshll.u32 s7, $0x1;
	s4 =	sadd.s32 s5, s19  }
0x9d: {  	s8 =	simm.s32 $0x0;
	s20 =	sshll.u32 s6, $0x1;
	s6 =	sadd.s32 s21, s4  }
0x9e: {  	[timem:s8], [sflag:s22] =	dma.local [hbm:s6], s20  }
0x9f: {  	_ =	swait.ge [sflag:s22], s20  }
0xa0: {  	s5 =	ssub.s32 $0x0, s20;
	[sflag:s22] =	ssyncset.done $0x0  }
0xa1: {  	[sflag:s22] =	ssyncadd.s32 s5;
	_ =	sdelay $0x1  }
0xa2: {  	s23 =	simm.s32 $0x1B8B  }
0xa3: {  	_ =	swait.ge [sflag:s23], $0x1  }
0xa4: {  	[sflag:s23] =	ssyncset.done $0x0  }
0xa5: {  	s25 =	simm.s32 $0x1B8E;
	s24 =	sld [smem:$0x3FFE];
	[sflag:s23] =	ssyncadd.s32 $0xFFFFFFFF  }
0xa6: {  	s26 =	simm.s32 $execute0_lowered;
	[smem:$0x3FD2] =	sst s25  }
0xa7: {  	s6 =	sshll.u32 s26, $0x1;
	_ =	strace $0x80000046;
	[dreg:$0x1] =	wrdreg $0xFFFFFFFF  }
0xa8: {  	s28 =	simm.s32 $_size_execute0_lowered;
	s4 =	sadd.s32 s4, s6;
	[dreg:$0x0] =	wrdreg $0x0  }
0xa9: {  	s6 =	sshll.u32 s28, $0x1;
	[dreg:$0x2] =	wrdreg s4  }
0xaa: {  	[dreg:$0x3] =	wrdreg s6  }
0xab: {  	[dreg:$0x4] =	wrdreg $0xC0  }
0xac: {  	_ =	task [dreg:s8], $0x5FFFF  }
0xad: {  	[dreg:$0x1] =	wrdreg $0xFFFFFFFF  }
0xae: {  	[dreg:$0x0] =	wrdreg $0x60  }
0xaf: {  	[dreg:$0x2] =	wrdreg s24  }
0xb0: {  	[dreg:$0x3] =	wrdreg s2  }
0xb1: {  	[dreg:$0x4] =	wrdreg s18  }
0xb2: {  	[dreg:$0x5] =	wrdreg $0x19C000  }
0xb3: {  	[dreg:$0x6] =	wrdreg $0x9  }
0xb4: {  	_ =	task.clear_ibuf [dreg:s8], $0x7FFFF;
	_ =	strace $0x90000046  }
0xb5: {  	s29 =	simm.s32 $0x9;
	_ =	strace $0x80000048  }
0xb6: {  	_ =	swait.ge [sflag:s29], $0x1  }
0xb7: {  	[sflag:s29] =	ssyncadd.s32 $0xFFFFFFFF  }
0xb8: {  	_ =	strace $0x90000048  }
0xb9: {  	_ =	sfence  }
0xba: {  	s30 =	sld [smem:$0x0];
	_ =	sdelay $0x2  }
0xbb: {  	s31 =	sshll.u32 s1, $0xD;
	s1 =	sshrl.u32 s1, $0x2  }
0xbc: {  	s3 =	sand.u32 $0x4000, s31;
	s1 =	sadd.s32 s1, s30  }
0xbd: {  	s0 =	sor.u32 s3, s0;
	s1 =	sshll.u32 s1, $0x11  }
0xbe: {  	s0 =	sor.u32 s1, s0  }
0xbf: {  	s0 =	sadd.s32 $0x8F2B, s0  }
0xc0: {  	[sflag:s0] =	ssyncadd.remote.s32 $0x1  }
0xc1: {  	_ =	sfence.sel $0xFFFF  }
0xc2: {  	[dreg:$0x0] =	wrdreg $0xFFFFFFFF;
	(pc) =	sbr.abs _section_cstart, $3  }
0xc3: {  	[dreg:$0x1] =	wrdreg $0xFFFFFFFF  }
0xc4: {  	_ =	task.clear_ibuf [dreg:s8], $0x2FFFF;
	_ =	strace $0x9FFFFFFF  }
0xc5: {  	(tm) =	ssettm $0x7FFFFFFF  }
tec
execute0_lowered:
.L_overlay_start_1:
0x0: {  	(tag) =	ssettag $0x1  }
0x1: {  	s4 =	rddreg [dreg:$0x0]  }
0x2: {  	s1 =	rddreg [dreg:$0x1]  }
0x3: {  	s8 =	rddreg [dreg:$0x2]  }
0x4: {  	s2 =	rddreg [dreg:$0x3]  }
0x5: {  	s0 =	rddreg [dreg:$0x4];
	s5 =	srdreg.scid  }
0x6: {  	s3 =	simm.s32 $0x0;
	s11 =	stileid.u32;
	s14 =	simm.s32 $0x8000  }
0x7: {  	s15 =	simm.s32 $0x100;
	s16 =	simm.s32 $0xC000;
	s17 =	simm.s32 $0x1  }
0x8: {  	s18 =	simm.s32 $0x180;
	s19 =	simm.s32 $0x10000;
	s20 =	simm.s32 $0x2  }
0x9: {  	s21 =	simm.s32 $0x0;
	s9 =	sand.u32 $0x1, s5;
	[smem:$0x7FF] =	sst s3  }
0xa: {  	s30 =	sshll.u32 s11, $0xF;
	s12 =	sshll.u32 s11, $0x13;
	p0 =	sne.s32 s11, $0x0  }
0xb: {  	s11 =	simm.s32 $0x3;
	s6 =	sshll.u32 s9, $0xE;
	_ =	strace $0x80000047  }
0xc: {  	s31 =	ssub.s32 $0x2, s9;
	s12 =	sadd.s32 s12, s8;
	s5 =	sor.u32 s6, s30  }
0xd: {  	s13 =	sshll.u32 s9, $0x12;
	s10 =	sshrl.u32 s31, $0x1;
	s7 =	sshrl.u32 s5, $0x3  }
0xe: {  	s5 =	sshll.u32 s5, $0x4;
	s10 =	ssub.s32 s31, s10;
	s7 =	sadd.s32 s7, s4  }
0xf: {  	s4 =	sadd.s32 s8, s5;
	s9 =	smax.u32 s10, $0x1;
	s10 =	sadd.s32 s13, s12  }
0x10: {  	s12 =	simm.s32 $0x80;
	s13 =	simm.s32 $0x4000;
	s5 =	sadd.s32 $0x400, s7  }
0x11: {  	s6 =	sadd.s32 $0x800, s4;
	s7 =	sadd.s32 $0x3F000, s4;
	s8 =	sadd.s32 $0x3F800, s4  }
.LBB2_1:
0x12: {  	s22 =	simm.s32 @!p0 $0x0;
	s23 =	simm.s32 @!p0 $0x14000  }
0x13: {  	[tilespmem:s23], [sflag:$0x3] =	stream.linear.gather @!p0 [hbm4b:s1+s22], $0x5900, $0x38;
	[tilespmem:$0x1A190] =	vst v63  }
0x14: {  	s22 =	simm.s32 @!p0 $0x3  }
0x15: {  	_ =	swait.ge @!p0 [sflag:s22], $0x5900  }
0x16: {  	[sflag:s22] =	ssyncset.done @!p0 $0x0  }
0x17: {  	[sflag:s22] =	ssyncadd.s32 @!p0 $0xFFFFA700  }
0x18: {  	[spmem:s2] =	stream.linear.scatter @!p0 [tilespmem:s23], [sflag:$0x3], $0x5900, $0x38;
	[tilespmem:$0x1A190] =	vst v63  }
0x19: {  	_ =	swait.ge @!p0 [sflag:s22], $0x5900  }
0x1a: {  	[sflag:s22] =	ssyncset.done @!p0 $0x0  }
0x1b: {  	[sflag:s22] =	ssyncadd.s32 @!p0 $0xFFFFA700  }
0x1c: {  	[tilespmem:s3], [sflag:$0x3] =	stream.linear.gather [hbm4b:s5+s3], $0x4000, $0x38;
	[tilespmem:$0x1A190] =	vst v63  }
0x1d: {  	_ =	swait.ge [sflag:s11], $0x4000  }
0x1e: {  	[sflag:s11] =	ssyncset.done $0x0  }
0x1f: {  	[sflag:s11] =	ssyncadd.s32 $0xFFFFC000  }
0x20: {  	[bflag:$0x0] =	sbarrier.arrive $0xFFFF  }
0x21: {  	[tilespmem:s13], [sflag:$0x1] =	stream.indirect.gather [spmem:s2], $0x80, s3, s12, $0xb8;
	[tilespmem:$0x1A190] =	vst v63  }
0x22: {  	_ = 	snop  }
0x23: {  	[tilespmem:s14], [sflag:$0x1] =	stream.indirect.gather [spmem:s2], $0x80, s12, s12, $0xb8;
	[tilespmem:$0x1A190] =	vst v63  }
0x24: {  	_ = 	snop  }
0x25: {  	[tilespmem:s16], [sflag:$0x1] =	stream.indirect.gather [spmem:s2], $0x80, s15, s12, $0xb8;
	[tilespmem:$0x1A190] =	vst v63  }
0x26: {  	_ =	swait.ge [sflag:s17], $0x4000  }
0x27: {  	[sflag:s17] =	ssyncset.done $0x0  }
0x28: {  	[sflag:s17] =	ssyncadd.s32 $0xFFFFC000  }
0x29: {  	[hbm4b:s4+s3] =	stream.linear.scatter [tilespmem:s13], [sflag:$0x2], $0x4000, $0x38;
	[tilespmem:$0x1A190] =	vst v63  }
0x2a: {  	_ = 	snop  }
0x2b: {  	[tilespmem:s19], [sflag:$0x1] =	stream.indirect.gather [spmem:s2], $0x80, s18, s12, $0xb8;
	[tilespmem:$0x1A190] =	vst v63  }
0x2c: {  	_ =	swait.ge [sflag:s17], $0x4000  }
0x2d: {  	[sflag:s17] =	ssyncset.done $0x0  }
0x2e: {  	[sflag:s17] =	ssyncadd.s32 $0xFFFFC000  }
0x2f: {  	[hbm4b:s6+s3] =	stream.linear.scatter [tilespmem:s14], [sflag:$0x2], $0x4000, $0x38;
	[tilespmem:$0x1A190] =	vst v63  }
0x30: {  	_ =	swait.ge [sflag:s20], $0x4000  }
0x31: {  	[sflag:s20] =	ssyncset.done $0x0  }
0x32: {  	s23 =	simm.s32 $0x200;
	[sflag:s20] =	ssyncadd.s32 $0xFFFFC000  }
0x33: {  	[tilespmem:s13], [sflag:$0x1] =	stream.indirect.gather [spmem:s2], $0x80, s23, s12, $0xb8;
	[tilespmem:$0x1A190] =	vst v63  }
0x34: {  	_ =	swait.ge [sflag:s17], $0x4000  }
0x35: {  	s24 =	sadd.s32 $0x0, s10;
	[sflag:s17] =	ssyncset.done $0x0  }
0x36: {  	s25 =	sadd.s32 $0x1000, s24;
	[sflag:s17] =	ssyncadd.s32 $0xFFFFC000  }
0x37: {  	[hbm4b:s25+s3] =	stream.linear.scatter [tilespmem:s16], [sflag:$0x2], $0x4000, $0x38;
	[tilespmem:$0x1A190] =	vst v63  }
0x38: {  	_ =	swait.ge [sflag:s20], $0x4000  }
0x39: {  	[sflag:s20] =	ssyncset.done $0x0  }
0x3a: {  	s26 =	simm.s32 $0x280;
	[sflag:s20] =	ssyncadd.s32 $0xFFFFC000  }
0x3b: {  	[tilespmem:s14], [sflag:$0x1] =	stream.indirect.gather [spmem:s2], $0x80, s26, s12, $0xb8;
	[tilespmem:$0x1A190] =	vst v63  }
0x3c: {  	_ =	swait.ge [sflag:s17], $0x4000  }
0x3d: {  	[sflag:s17] =	ssyncset.done $0x0  }
0x3e: {  	s28 =	sadd.s32 $0x1800, s24;
	[sflag:s17] =	ssyncadd.s32 $0xFFFFC000  }
0x3f: {  	[hbm4b:s28+s3] =	stream.linear.scatter [tilespmem:s19], [sflag:$0x2], $0x4000, $0x38;
	[tilespmem:$0x1A190] =	vst v63  }
0x40: {  	_ =	swait.ge [sflag:s20], $0x4000  }
0x41: {  	[sflag:s20] =	ssyncset.done $0x0  }
0x42: {  	s29 =	simm.s32 $0x300;
	[sflag:s20] =	ssyncadd.s32 $0xFFFFC000  }
0x43: {  	[tilespmem:s16], [sflag:$0x1] =	stream.indirect.gather [spmem:s2], $0x80, s29, s12, $0xb8;
	[tilespmem:$0x1A190] =	vst v63  }
0x44: {  	_ =	swait.ge [sflag:s17], $0x4000  }
0x45: {  	[sflag:s17] =	ssyncset.done $0x0  }
0x46: {  	s30 =	sadd.s32 $0x2000, s24;
	[sflag:s17] =	ssyncadd.s32 $0xFFFFC000  }
0x47: {  	[hbm4b:s30+s3] =	stream.linear.scatter [tilespmem:s13], [sflag:$0x2], $0x4000, $0x38;
	[tilespmem:$0x1A190] =	vst v63  }
0x48: {  	_ =	swait.ge [sflag:s20], $0x4000  }
0x49: {  	[sflag:s20] =	ssyncset.done $0x0  }
0x4a: {  	s31 =	simm.s32 $0x380;
	[sflag:s20] =	ssyncadd.s32 $0xFFFFC000  }
0x4b: {  	[tilespmem:s19], [sflag:$0x1] =	stream.indirect.gather [spmem:s2], $0x80, s31, s12, $0xb8;
	[tilespmem:$0x1A190] =	vst v63  }
0x4c: {  	_ =	swait.ge [sflag:s17], $0x4000  }
0x4d: {  	s24 =	sadd.s32 $0x2800, s24;
	[sflag:s17] =	ssyncset.done $0x0  }
0x4e: {  	s22 =	simm.s32 $0x2000;
	s23 =	simm.s32 $0x580;
	[sflag:s17] =	ssyncadd.s32 $0xFFFFC000  }
.LBB2_2:
0x4f: {  	[hbm4b:s24+s3] =	stream.linear.scatter [tilespmem:s14], [sflag:$0x2], $0x4000, $0x38;
	[tilespmem:$0x1A190] =	vst v63  }
0x50: {  	s24 =	smov.u32 s22  }
0x51: {  	p1 =	sne.s32 s22, $0x3C000;
	s22 =	sadd.s32 $0x2000, s22;
	_ =	swait.ge [sflag:s20], $0x4000  }
0x52: {  	[sflag:s20] =	ssyncset.done $0x0  }
0x53: {  	s25 =	sadd.s32 $0xFFFFFE80, s23;
	[sflag:s20] =	ssyncadd.s32 $0xFFFFC000  }
0x54: {  	[tilespmem:s13], [sflag:$0x1] =	stream.indirect.gather [spmem:s2], $0x80, s25, s12, $0xb8;
	[tilespmem:$0x1A190] =	vst v63  }
0x55: {  	_ =	swait.ge [sflag:s17], $0x4000  }
0x56: {  	s24 =	sadd.s32 s24, s10;
	[sflag:s17] =	ssyncset.done $0x0  }
0x57: {  	s25 =	sadd.s32 $0x1000, s24;
	[sflag:s17] =	ssyncadd.s32 $0xFFFFC000  }
0x58: {  	[hbm4b:s25+s3] =	stream.linear.scatter [tilespmem:s16], [sflag:$0x2], $0x4000, $0x38;
	[tilespmem:$0x1A190] =	vst v63  }
0x59: {  	_ =	swait.ge [sflag:s20], $0x4000  }
0x5a: {  	[sflag:s20] =	ssyncset.done $0x0  }
0x5b: {  	s25 =	sadd.s32 $0xFFFFFF00, s23;
	[sflag:s20] =	ssyncadd.s32 $0xFFFFC000  }
0x5c: {  	[tilespmem:s14], [sflag:$0x1] =	stream.indirect.gather [spmem:s2], $0x80, s25, s12, $0xb8;
	[tilespmem:$0x1A190] =	vst v63  }
0x5d: {  	_ =	swait.ge [sflag:s17], $0x4000  }
0x5e: {  	[sflag:s17] =	ssyncset.done $0x0  }
0x5f: {  	s25 =	sadd.s32 $0x1800, s24;
	[sflag:s17] =	ssyncadd.s32 $0xFFFFC000  }
0x60: {  	[hbm4b:s25+s3] =	stream.linear.scatter [tilespmem:s19], [sflag:$0x2], $0x4000, $0x38;
	[tilespmem:$0x1A190] =	vst v63  }
0x61: {  	_ =	swait.ge [sflag:s20], $0x4000  }
0x62: {  	[sflag:s20] =	ssyncset.done $0x0  }
0x63: {  	s25 =	sadd.s32 $0xFFFFFF80, s23;
	[sflag:s20] =	ssyncadd.s32 $0xFFFFC000  }
0x64: {  	[tilespmem:s16], [sflag:$0x1] =	stream.indirect.gather [spmem:s2], $0x80, s25, s12, $0xb8;
	[tilespmem:$0x1A190] =	vst v63  }
0x65: {  	_ =	swait.ge [sflag:s17], $0x4000  }
0x66: {  	[sflag:s17] =	ssyncset.done $0x0  }
0x67: {  	s25 =	sadd.s32 $0x2000, s24;
	[sflag:s17] =	ssyncadd.s32 $0xFFFFC000  }
0x68: {  	[hbm4b:s25+s3] =	stream.linear.scatter [tilespmem:s13], [sflag:$0x2], $0x4000, $0x38;
	[tilespmem:$0x1A190] =	vst v63  }
0x69: {  	_ =	swait.ge [sflag:s20], $0x4000  }
0x6a: {  	[sflag:s20] =	ssyncset.done $0x0  }
.Ltmp0:
0x6b: {  	[sflag:s20] =	ssyncadd.s32 $0xFFFFC000;
	(pc) =	sbr.rel @p1 .LBB2_2-.Ltmp0, $4  }
0x6c: {  	[tilespmem:s19], [sflag:$0x1] =	stream.indirect.gather [spmem:s2], $0x80, s23, s12, $0xb8;
	[tilespmem:$0x1A190] =	vst v63  }
0x6d: {  	_ =	swait.ge [sflag:s17], $0x4000  }
0x6e: {  	[sflag:s17] =	ssyncset.done $0x0  }
0x6f: {  	s24 =	sadd.s32 $0x2800, s24;
	s23 =	sadd.s32 $0x200, s23;
	[sflag:s17] =	ssyncadd.s32 $0xFFFFC000  }
0x70: {  	[hbm4b:s24+s3] =	stream.linear.scatter [tilespmem:s14], [sflag:$0x2], $0x4000, $0x38;
	[tilespmem:$0x1A190] =	vst v63  }
0x71: {  	_ =	swait.ge [sflag:s17], $0x4000  }
0x72: {  	[sflag:s17] =	ssyncset.done $0x0  }
0x73: {  	[sflag:s17] =	ssyncadd.s32 $0xFFFFC000  }
0x74: {  	[hbm4b:s7+s3] =	stream.linear.scatter [tilespmem:s16], [sflag:$0x2], $0x4000, $0x38;
	[tilespmem:$0x1A190] =	vst v63  }
0x75: {  	_ =	swait.ge [sflag:s17], $0x4000  }
0x76: {  	[sflag:s17] =	ssyncset.done $0x0  }
0x77: {  	[sflag:s17] =	ssyncadd.s32 $0xFFFFC000  }
0x78: {  	[hbm4b:s8+s3] =	stream.linear.scatter [tilespmem:s19], [sflag:$0x2], $0x4000, $0x38;
	[tilespmem:$0x1A190] =	vst v63  }
0x79: {  	_ =	swait.ge [sflag:s20], $0x4000  }
0x7a: {  	[sflag:s20] =	ssyncset.done $0x0  }
0x7b: {  	[sflag:s20] =	ssyncadd.s32 $0xFFFFC000  }
0x7c: {  	_ =	swait.ge [sflag:s20], $0x4000  }
0x7d: {  	[sflag:s20] =	ssyncset.done $0x0  }
0x7e: {  	s21 =	sadd.s32 $0x1, s21;
	[sflag:s20] =	ssyncadd.s32 $0xFFFFC000  }
0x7f: {  	p1 =	sne.s32 s21, s9;
	_ =	swait.ge [sflag:s20], $0x4000  }
.Ltmp1:
0x80: {  	[sflag:s20] =	ssyncset.done $0x0;
	(pc) =	sbr.rel @p1 .LBB2_1-.Ltmp1, $4  }
0x81: {  	[sflag:s20] =	ssyncadd.s32 $0xFFFFC000  }
0x82: {  	_ =	swait.ge [sflag:s20], $0x4000  }
0x83: {  	[sflag:s20] =	ssyncset.done $0x0  }
0x84: {  	[sflag:s20] =	ssyncadd.s32 $0xFFFFC000  }
0x85: {  	_ =	sfence.sel $0x180000  }
0x86: {  	[bflag:$0x0] =	sbarrier.arrive $0xFFFF  }
0x87: {  	_ =	strace $0x90000047  }
0x88: {  	s0 =	sadd.s32 @!p0 $0x100000, s0;
	[bflag:$0x2] =	sbarrier.arrive $0xFFFF  }
0x89: {  	[sflag:s0] =	ssyncadd.tile.s32 @!p0 $0x1;
	_ =	shalt  }
.Lfunc_end2:
_tile_overlayer_lowered:
.L_overlay_start_2:
0x8a: {  	(tag) =	ssettag $0x2  }
0x8b: {  	s0 =	rddreg [dreg:$0x0];
	s2 =	stileid.u32  }
0x8c: {  	s1 =	rddreg [dreg:$0x1];
	p0 =	sne.s32 s2, $0x0  }
0x8d: {  	s3 =	rddreg [dreg:$0x2];
	[bflag:$0x3] =	sbarrier.arrive $0xFFFF;
	s2 =	simm.s32 @!p0 $0x1C03  }
0x8e: {  	[timem:s3], [sflag:s2] =	dma.local @!p0 [hbm:s0], s1  }
0x8f: {  	s0 =	simm.s32 @!p0 $0x3  }
0x90: {  	_ =	swait.ge @!p0 [sflag:s0], s1  }
0x91: {  	s1 =	ssub.s32 @!p0 $0x0, s1;
	[sflag:s0] =	ssyncset.done @!p0 $0x0  }
0x92: {  	[sflag:s0] =	ssyncadd.s32 @!p0 s1  }
0x93: {  	[bflag:$0x3] =	sbarrier.arrive $0xFFFF  }
0x94: {  	_ =	shalt  }

</sc_bundles>
